<compile_context>
chip_gen: v7x
topology: tpu7x:2x2x1
jax: 0.10.2.dev20260603
libtpu: 0.0.44.dev20260713+nightly
codegen_flags: <defaults>
</compile_context>

<pallas_src>
import functools

import jax
import jax.numpy as jnp
from jax import lax
from jax.experimental import pallas as pl
from jax.experimental.pallas import tpu as pltpu
from jax.experimental.pallas import tpu_sc as plsc

BATCH = 16384
EMBED = 32
NROWS = 1000000
NC = 2
NS = 16
NW = NC * NS
ROWS_PER_W = BATCH // NW
CHUNK = 128
NCHUNK = ROWS_PER_W // CHUNK

BLK = 32768
NBLK = -(-NROWS // BLK)
SPAD = NBLK * BLK


def _tc_score_body(w_ref, u_ref, a_ref, su_ref, sa_ref):
    wu = w_ref[0, :EMBED].reshape(EMBED, 1)
    wa = w_ref[0, EMBED:].reshape(EMBED, 1)
    su_ref[...] = jnp.sum(u_ref[...] * wu, axis=0, keepdims=True)
    sa_ref[...] = jnp.sum(a_ref[...] * wa, axis=0, keepdims=True)


_tc_score = pl.pallas_call(
    _tc_score_body,
    grid=(NBLK,),
    in_specs=[
        pl.BlockSpec((1, 2 * EMBED), lambda i: (0, 0)),
        pl.BlockSpec((EMBED, BLK), lambda i: (0, i)),
        pl.BlockSpec((EMBED, BLK), lambda i: (0, i)),
    ],
    out_specs=[
        pl.BlockSpec((1, BLK), lambda i: (0, i)),
        pl.BlockSpec((1, BLK), lambda i: (0, i)),
    ],
    out_shape=[
        jax.ShapeDtypeStruct((1, SPAD), jnp.float32),
        jax.ShapeDtypeStruct((1, SPAD), jnp.float32),
    ],
    compiler_params=pltpu.CompilerParams(
        dimension_semantics=("arbitrary",)),
)


@functools.partial(
    pl.kernel,
    out_type=jax.ShapeDtypeStruct((BATCH,), jnp.float32),
    mesh=plsc.VectorSubcoreMesh(core_axis_name="c", subcore_axis_name="s"),
    scratch_types=[
        pltpu.VMEM((NCHUNK, CHUNK), jnp.int32),
        pltpu.VMEM((NCHUNK, CHUNK), jnp.int32),
        pltpu.VMEM((ROWS_PER_W,), jnp.float32),
        pltpu.VMEM((ROWS_PER_W,), jnp.float32),
        pltpu.VMEM((16,), jnp.float32),
        pltpu.VMEM((ROWS_PER_W,), jnp.float32),
        pltpu.SemaphoreType.DMA,
    ],
    compiler_params=pltpu.CompilerParams(
        needs_layout_passes=False, use_tc_tiling_on_sc=False),
)
def _sc_combine_kernel(uids, aids, su, sa, fcb, out,
                       uidx_v, aidx_v, su_v, sa_v, b_v, out_v, sem):
    wid = lax.axis_index("s") * NC + lax.axis_index("c")
    base = wid * ROWS_PER_W

    pltpu.sync_copy(uids.at[wid], uidx_v)
    pltpu.sync_copy(aids.at[wid], aidx_v)
    pltpu.sync_copy(fcb, b_v.at[pl.ds(0, 1)])

    copies = []
    for j in range(NCHUNK):
        copies.append(pltpu.async_copy(
            su.at[uidx_v.at[j]], su_v.at[pl.ds(j * CHUNK, CHUNK)], sem))
        copies.append(pltpu.async_copy(
            sa.at[aidx_v.at[j]], sa_v.at[pl.ds(j * CHUNK, CHUNK)], sem))
    for c in copies:
        c.wait()

    bias_vec = b_v[...].at[jnp.zeros((16,), jnp.int32)].get(
        mode="promise_in_bounds")
    for g in range(ROWS_PER_W // 16):
        sl = pl.ds(g * 16, 16)
        out_v[sl] = su_v[sl] + sa_v[sl] + bias_vec

    pltpu.sync_copy(out_v, out.at[pl.ds(base, ROWS_PER_W)])


def kernel(user_ids, article_ids, user_table, article_table, fc_w, fc_b):
    uids = user_ids.astype(jnp.int32).reshape(NW, NCHUNK, CHUNK)
    aids = article_ids.astype(jnp.int32).reshape(NW, NCHUNK, CHUNK)
    su2, sa2 = _tc_score(fc_w, user_table.T, article_table.T)
    su = su2.reshape(SPAD)
    sa = sa2.reshape(SPAD)
    out = _sc_combine_kernel(uids, aids, su, sa, fc_b)
    return out.reshape(BATCH, 1)

# --- scband reference (transcript-rebuilt; emitter-appended) ---
"""Pipeline reference for scband-movie-recommendation-model-12824772346087 (READ-ONLY COPY).

The authoritative reference and input builder live on the scoring server;
editing this copy changes nothing except your own understanding.
"""

import jax, jax.numpy as jnp
import numpy as np

NUM_USERS = 1000000
NUM_ARTICLES = 1000000
EMBED_DIM = 32
BATCH = 16384

def setup_inputs(seed: int = 0) -> dict:
    key = jax.random.key(seed)
    k1, k2, k3, k4, k5, k6 = jax.random.split(key, 6)
    user_ids = jax.random.randint(k1, (BATCH,), 0, NUM_USERS, dtype=jnp.int64) if jax.config.jax_enable_x64 else jax.random.randint(k1, (BATCH,), 0, NUM_USERS, dtype=jnp.int32)
    article_ids = jax.random.randint(k2, (BATCH,), 0, NUM_ARTICLES, dtype=jnp.int32)
    user_table = jax.random.normal(k3, (NUM_USERS, EMBED_DIM), dtype=jnp.float32)
    article_table = jax.random.normal(k4, (NUM_ARTICLES, EMBED_DIM), dtype=jnp.float32)
    # nn.Linear(embedding_dim*2, 1): weight [1, 64], bias [1]
    bound = 1.0 / np.sqrt(EMBED_DIM * 2)
    fc_w = jax.random.uniform(k5, (1, EMBED_DIM * 2), dtype=jnp.float32, minval=-bound, maxval=bound)
    fc_b = jax.random.uniform(k6, (1,), dtype=jnp.float32, minval=-bound, maxval=bound)
    return {"user_ids": user_ids, "article_ids": article_ids,
            "user_table": user_table, "article_table": article_table,
            "fc_w": fc_w, "fc_b": fc_b}

def reference(user_ids, article_ids, user_table, article_table, fc_w, fc_b):
    user_embeds = jnp.take(user_table, user_ids, axis=0)            # [B, 32]
    article_embeds = jnp.take(article_table, article_ids, axis=0)   # [B, 32]
    concat_embeds = jnp.concatenate((user_embeds, article_embeds), axis=1)  # [B, 64]
    rating = concat_embeds @ fc_w.T + fc_b                           # [B, 1]
    return rating

if __name__ == "__main__":
    import jax
    _d = setup_inputs()
    print(jax.jit(kernel)(*tuple(_d.values())))

</pallas_src>

<mosaic_0001>
#map = affine_map<(d0, d1) -> (0, 0, 0)>
#map1 = affine_map<(d0, d1) -> (0)>
module attributes {stable_mosaic.version = 14 : i64} {
  func.func @_sc_combine_kernel(%arg0: i32, %arg1: i32, %arg2: memref<32x4x128xi32, #tpu.memory_space<hbm>>, %arg3: memref<32x4x128xi32, #tpu.memory_space<hbm>>, %arg4: memref<1015808xf32, #tpu.memory_space<hbm>>, %arg5: memref<1015808xf32, #tpu.memory_space<hbm>>, %arg6: memref<1xf32, #tpu.memory_space<hbm>>, %arg7: memref<16384xf32, #tpu.memory_space<hbm>>, %arg8: memref<4x128xi32, #tpu.memory_space<vmem>>, %arg9: memref<4x128xi32, #tpu.memory_space<vmem>>, %arg10: memref<512xf32, #tpu.memory_space<vmem>>, %arg11: memref<512xf32, #tpu.memory_space<vmem>>, %arg12: memref<16xf32, #tpu.memory_space<vmem>>, %arg13: memref<512xf32, #tpu.memory_space<vmem>>, %arg14: memref<!tpu.dma_semaphore, #tpu.memory_space<semaphore_mem>>) attributes {dimension_semantics = [#tpu.dimension_semantics<core_parallel>, #tpu.dimension_semantics<subcore_parallel>], iteration_bounds = array<i64: 2, 16>, scalar_prefetch = 0 : i64, scratch_operands = 7 : i64, tpu.core_type = #tpu.core_type<sc_vector_subcore>, window_params = [{transform_indices = #map}, {transform_indices = #map}, {transform_indices = #map1}, {transform_indices = #map1}, {transform_indices = #map1}, {transform_indices = #map1}]} {
    %mul3A = arith.constant 2 : i32
    %mul3A_0 = arith.muli %arg1, %mul3A : i32
    %add3A = arith.addi %mul3A_0, %arg0 : i32
    %mul3A_1 = arith.constant 512 : i32
    %mul3A_2 = arith.muli %add3A, %mul3A_1 : i32
    "tpu.region"() ({
      %run_scoped3A = tpu.sem_alloc : memref<!tpu.dma_semaphore, #tpu.memory_space<semaphore_mem>>
      %dma_start3A_393 = arith.constant 0 : i32
      %dma_start3A_394 = arith.constant 0 : i32
      %dma_start3A_395 = tpu.memref_slice %arg2[%add3A, %dma_start3A_393, %dma_start3A_394] : memref<32x4x128xi32, #tpu.memory_space<hbm>> -> memref<1x4x128xi32, #tpu.memory_space<hbm>>
      %dma_start3A_396 = tpu.memref_squeeze %dma_start3A_395 : memref<1x4x128xi32, #tpu.memory_space<hbm>> -> memref<4x128xi32, #tpu.memory_space<hbm>>
      %dma_start3A_397 = arith.constant 0 : i32
      %dma_start3A_398 = arith.constant 0 : i32
      %dma_start3A_399 = tpu.memref_slice %arg2[%add3A, %dma_start3A_397, %dma_start3A_398] : memref<32x4x128xi32, #tpu.memory_space<hbm>> -> memref<1x4x128xi32, #tpu.memory_space<hbm>>
      %dma_start3A_400 = tpu.memref_squeeze %dma_start3A_399 : memref<1x4x128xi32, #tpu.memory_space<hbm>> -> memref<4x128xi32, #tpu.memory_space<hbm>>
      tpu.enqueue_dma source(%dma_start3A_400 : memref<4x128xi32, #tpu.memory_space<hbm>>) target(%arg8 : memref<4x128xi32, #tpu.memory_space<vmem>>) target_semaphore(%run_scoped3A : memref<!tpu.dma_semaphore, #tpu.memory_space<semaphore_mem>>)
      %dma_wait3A_401 = arith.constant 0 : i32
      %dma_wait3A_402 = arith.constant 0 : i32
      %dma_wait3A_403 = tpu.memref_slice %arg2[%add3A, %dma_wait3A_401, %dma_wait3A_402] : memref<32x4x128xi32, #tpu.memory_space<hbm>> -> memref<1x4x128xi32, #tpu.memory_space<hbm>>
      %dma_wait3A_404 = tpu.memref_squeeze %dma_wait3A_403 : memref<1x4x128xi32, #tpu.memory_space<hbm>> -> memref<4x128xi32, #tpu.memory_space<hbm>>
      %dma_wait3A_405 = arith.constant 0 : i32
      %dma_wait3A_406 = arith.constant 0 : i32
      %dma_wait3A_407 = tpu.memref_slice %arg2[%add3A, %dma_wait3A_405, %dma_wait3A_406] : memref<32x4x128xi32, #tpu.memory_space<hbm>> -> memref<1x4x128xi32, #tpu.memory_space<hbm>>
      %dma_wait3A_408 = tpu.memref_squeeze %dma_wait3A_407 : memref<1x4x128xi32, #tpu.memory_space<hbm>> -> memref<4x128xi32, #tpu.memory_space<hbm>>
      tpu.wait_dma2 semaphore(%run_scoped3A : memref<!tpu.dma_semaphore, #tpu.memory_space<semaphore_mem>>) src(%dma_wait3A_408 : memref<4x128xi32, #tpu.memory_space<hbm>>) dst(%arg8 : memref<4x128xi32, #tpu.memory_space<vmem>>)
      tpu.yield
    }) : () -> ()
    "tpu.region"() ({
      %run_scoped3A = tpu.sem_alloc : memref<!tpu.dma_semaphore, #tpu.memory_space<semaphore_mem>>
      %dma_start3A_393 = arith.constant 0 : i32
      %dma_start3A_394 = arith.constant 0 : i32
      %dma_start3A_395 = tpu.memref_slice %arg3[%add3A, %dma_start3A_393, %dma_start3A_394] : memref<32x4x128xi32, #tpu.memory_space<hbm>> -> memref<1x4x128xi32, #tpu.memory_space<hbm>>
      %dma_start3A_396 = tpu.memref_squeeze %dma_start3A_395 : memref<1x4x128xi32, #tpu.memory_space<hbm>> -> memref<4x128xi32, #tpu.memory_space<hbm>>
      %dma_start3A_397 = arith.constant 0 : i32
      %dma_start3A_398 = arith.constant 0 : i32
      %dma_start3A_399 = tpu.memref_slice %arg3[%add3A, %dma_start3A_397, %dma_start3A_398] : memref<32x4x128xi32, #tpu.memory_space<hbm>> -> memref<1x4x128xi32, #tpu.memory_space<hbm>>
      %dma_start3A_400 = tpu.memref_squeeze %dma_start3A_399 : memref<1x4x128xi32, #tpu.memory_space<hbm>> -> memref<4x128xi32, #tpu.memory_space<hbm>>
      tpu.enqueue_dma source(%dma_start3A_400 : memref<4x128xi32, #tpu.memory_space<hbm>>) target(%arg9 : memref<4x128xi32, #tpu.memory_space<vmem>>) target_semaphore(%run_scoped3A : memref<!tpu.dma_semaphore, #tpu.memory_space<semaphore_mem>>)
      %dma_wait3A_401 = arith.constant 0 : i32
      %dma_wait3A_402 = arith.constant 0 : i32
      %dma_wait3A_403 = tpu.memref_slice %arg3[%add3A, %dma_wait3A_401, %dma_wait3A_402] : memref<32x4x128xi32, #tpu.memory_space<hbm>> -> memref<1x4x128xi32, #tpu.memory_space<hbm>>
      %dma_wait3A_404 = tpu.memref_squeeze %dma_wait3A_403 : memref<1x4x128xi32, #tpu.memory_space<hbm>> -> memref<4x128xi32, #tpu.memory_space<hbm>>
      %dma_wait3A_405 = arith.constant 0 : i32
      %dma_wait3A_406 = arith.constant 0 : i32
      %dma_wait3A_407 = tpu.memref_slice %arg3[%add3A, %dma_wait3A_405, %dma_wait3A_406] : memref<32x4x128xi32, #tpu.memory_space<hbm>> -> memref<1x4x128xi32, #tpu.memory_space<hbm>>
      %dma_wait3A_408 = tpu.memref_squeeze %dma_wait3A_407 : memref<1x4x128xi32, #tpu.memory_space<hbm>> -> memref<4x128xi32, #tpu.memory_space<hbm>>
      tpu.wait_dma2 semaphore(%run_scoped3A : memref<!tpu.dma_semaphore, #tpu.memory_space<semaphore_mem>>) src(%dma_wait3A_408 : memref<4x128xi32, #tpu.memory_space<hbm>>) dst(%arg9 : memref<4x128xi32, #tpu.memory_space<vmem>>)
      tpu.yield
    }) : () -> ()
    "tpu.region"() ({
      %run_scoped3A = tpu.sem_alloc : memref<!tpu.dma_semaphore, #tpu.memory_space<semaphore_mem>>
      %dma_start3A_393 = arith.constant 0 : i32
      %dma_start3A_394 = tpu.memref_slice %arg12[%dma_start3A_393] : memref<16xf32, #tpu.memory_space<vmem>> -> memref<1xf32, #tpu.memory_space<vmem>>
      %dma_start3A_395 = arith.constant 0 : i32
      %dma_start3A_396 = tpu.memref_slice %arg12[%dma_start3A_395] : memref<16xf32, #tpu.memory_space<vmem>> -> memref<1xf32, #tpu.memory_space<vmem>>
      tpu.enqueue_dma source(%arg6 : memref<1xf32, #tpu.memory_space<hbm>>) target(%dma_start3A_396 : memref<1xf32, #tpu.memory_space<vmem>>) target_semaphore(%run_scoped3A : memref<!tpu.dma_semaphore, #tpu.memory_space<semaphore_mem>>)
      %dma_wait3A_397 = arith.constant 0 : i32
      %dma_wait3A_398 = tpu.memref_slice %arg12[%dma_wait3A_397] : memref<16xf32, #tpu.memory_space<vmem>> -> memref<1xf32, #tpu.memory_space<vmem>>
      %dma_wait3A_399 = arith.constant 0 : i32
      %dma_wait3A_400 = tpu.memref_slice %arg12[%dma_wait3A_399] : memref<16xf32, #tpu.memory_space<vmem>> -> memref<1xf32, #tpu.memory_space<vmem>>
      tpu.wait_dma2 semaphore(%run_scoped3A : memref<!tpu.dma_semaphore, #tpu.memory_space<semaphore_mem>>) src(%arg6 : memref<1xf32, #tpu.memory_space<hbm>>) dst(%dma_wait3A_400 : memref<1xf32, #tpu.memory_space<vmem>>)
      tpu.yield
    }) : () -> ()
    %dma_start3A = arith.constant 0 : i32
    %dma_start3A_3 = arith.constant 0 : i32
    %dma_start3A_4 = tpu.memref_slice %arg10[%dma_start3A_3] : memref<512xf32, #tpu.memory_space<vmem>> -> memref<128xf32, #tpu.memory_space<vmem>>
    %dma_start3A_5 = arith.constant 0 : i32
    %dma_start3A_6 = tpu.memref_slice %arg8[%dma_start3A, %dma_start3A_5] : memref<4x128xi32, #tpu.memory_space<vmem>> -> memref<1x128xi32, #tpu.memory_space<vmem>>
    %dma_start3A_7 = tpu.memref_squeeze %dma_start3A_6 : memref<1x128xi32, #tpu.memory_space<vmem>> -> memref<128xi32, #tpu.memory_space<vmem>>
    %dma_start3A_8 = arith.constant 0 : i32
    %dma_start3A_9 = tpu.memref_slice %arg4[%dma_start3A_8] : memref<1015808xf32, #tpu.memory_space<hbm>> -> memref<1015808xf32, #tpu.memory_space<hbm>>
    tpu.enqueue_indirect_dma source(%dma_start3A_9 : memref<1015808xf32, #tpu.memory_space<hbm>>) target(%dma_start3A_4 : memref<128xf32, #tpu.memory_space<vmem>>) offsets(%dma_start3A_7 : memref<128xi32, #tpu.memory_space<vmem>>) semaphore(%arg14 : memref<!tpu.dma_semaphore, #tpu.memory_space<semaphore_mem>>)
    %dma_start3A_10 = arith.constant 0 : i32
    %dma_start3A_11 = arith.constant 0 : i32
    %dma_start3A_12 = tpu.memref_slice %arg11[%dma_start3A_11] : memref<512xf32, #tpu.memory_space<vmem>> -> memref<128xf32, #tpu.memory_space<vmem>>
    %dma_start3A_13 = arith.constant 0 : i32
    %dma_start3A_14 = tpu.memref_slice %arg9[%dma_start3A_10, %dma_start3A_13] : memref<4x128xi32, #tpu.memory_space<vmem>> -> memref<1x128xi32, #tpu.memory_space<vmem>>
    %dma_start3A_15 = tpu.memref_squeeze %dma_start3A_14 : memref<1x128xi32, #tpu.memory_space<vmem>> -> memref<128xi32, #tpu.memory_space<vmem>>
    %dma_start3A_16 = arith.constant 0 : i32
    %dma_start3A_17 = tpu.memref_slice %arg5[%dma_start3A_16] : memref<1015808xf32, #tpu.memory_space<hbm>> -> memref<1015808xf32, #tpu.memory_space<hbm>>
    tpu.enqueue_indirect_dma source(%dma_start3A_17 : memref<1015808xf32, #tpu.memory_space<hbm>>) target(%dma_start3A_12 : memref<128xf32, #tpu.memory_space<vmem>>) offsets(%dma_start3A_15 : memref<128xi32, #tpu.memory_space<vmem>>) semaphore(%arg14 : memref<!tpu.dma_semaphore, #tpu.memory_space<semaphore_mem>>)
    %dma_start3A_18 = arith.constant 1 : i32
    %dma_start3A_19 = arith.constant 128 : i32
    %dma_start3A_20 = tpu.memref_slice %arg10[%dma_start3A_19] : memref<512xf32, #tpu.memory_space<vmem>> -> memref<128xf32, #tpu.memory_space<vmem>>
    %dma_start3A_21 = arith.constant 0 : i32
    %dma_start3A_22 = tpu.memref_slice %arg8[%dma_start3A_18, %dma_start3A_21] : memref<4x128xi32, #tpu.memory_space<vmem>> -> memref<1x128xi32, #tpu.memory_space<vmem>>
    %dma_start3A_23 = tpu.memref_squeeze %dma_start3A_22 : memref<1x128xi32, #tpu.memory_space<vmem>> -> memref<128xi32, #tpu.memory_space<vmem>>
    %dma_start3A_24 = arith.constant 0 : i32
    %dma_start3A_25 = tpu.memref_slice %arg4[%dma_start3A_24] : memref<1015808xf32, #tpu.memory_space<hbm>> -> memref<1015808xf32, #tpu.memory_space<hbm>>
    tpu.enqueue_indirect_dma source(%dma_start3A_25 : memref<1015808xf32, #tpu.memory_space<hbm>>) target(%dma_start3A_20 : memref<128xf32, #tpu.memory_space<vmem>>) offsets(%dma_start3A_23 : memref<128xi32, #tpu.memory_space<vmem>>) semaphore(%arg14 : memref<!tpu.dma_semaphore, #tpu.memory_space<semaphore_mem>>)
    %dma_start3A_26 = arith.constant 1 : i32
    %dma_start3A_27 = arith.constant 128 : i32
    %dma_start3A_28 = tpu.memref_slice %arg11[%dma_start3A_27] : memref<512xf32, #tpu.memory_space<vmem>> -> memref<128xf32, #tpu.memory_space<vmem>>
    %dma_start3A_29 = arith.constant 0 : i32
    %dma_start3A_30 = tpu.memref_slice %arg9[%dma_start3A_26, %dma_start3A_29] : memref<4x128xi32, #tpu.memory_space<vmem>> -> memref<1x128xi32, #tpu.memory_space<vmem>>
    %dma_start3A_31 = tpu.memref_squeeze %dma_start3A_30 : memref<1x128xi32, #tpu.memory_space<vmem>> -> memref<128xi32, #tpu.memory_space<vmem>>
    %dma_start3A_32 = arith.constant 0 : i32
    %dma_start3A_33 = tpu.memref_slice %arg5[%dma_start3A_32] : memref<1015808xf32, #tpu.memory_space<hbm>> -> memref<1015808xf32, #tpu.memory_space<hbm>>
    tpu.enqueue_indirect_dma source(%dma_start3A_33 : memref<1015808xf32, #tpu.memory_space<hbm>>) target(%dma_start3A_28 : memref<128xf32, #tpu.memory_space<vmem>>) offsets(%dma_start3A_31 : memref<128xi32, #tpu.memory_space<vmem>>) semaphore(%arg14 : memref<!tpu.dma_semaphore, #tpu.memory_space<semaphore_mem>>)
    %dma_start3A_34 = arith.constant 2 : i32
    %dma_start3A_35 = arith.constant 256 : i32
    %dma_start3A_36 = tpu.memref_slice %arg10[%dma_start3A_35] : memref<512xf32, #tpu.memory_space<vmem>> -> memref<128xf32, #tpu.memory_space<vmem>>
    %dma_start3A_37 = arith.constant 0 : i32
    %dma_start3A_38 = tpu.memref_slice %arg8[%dma_start3A_34, %dma_start3A_37] : memref<4x128xi32, #tpu.memory_space<vmem>> -> memref<1x128xi32, #tpu.memory_space<vmem>>
    %dma_start3A_39 = tpu.memref_squeeze %dma_start3A_38 : memref<1x128xi32, #tpu.memory_space<vmem>> -> memref<128xi32, #tpu.memory_space<vmem>>
    %dma_start3A_40 = arith.constant 0 : i32
    %dma_start3A_41 = tpu.memref_slice %arg4[%dma_start3A_40] : memref<1015808xf32, #tpu.memory_space<hbm>> -> memref<1015808xf32, #tpu.memory_space<hbm>>
    tpu.enqueue_indirect_dma source(%dma_start3A_41 : memref<1015808xf32, #tpu.memory_space<hbm>>) target(%dma_start3A_36 : memref<128xf32, #tpu.memory_space<vmem>>) offsets(%dma_start3A_39 : memref<128xi32, #tpu.memory_space<vmem>>) semaphore(%arg14 : memref<!tpu.dma_semaphore, #tpu.memory_space<semaphore_mem>>)
    %dma_start3A_42 = arith.constant 2 : i32
    %dma_start3A_43 = arith.constant 256 : i32
    %dma_start3A_44 = tpu.memref_slice %arg11[%dma_start3A_43] : memref<512xf32, #tpu.memory_space<vmem>> -> memref<128xf32, #tpu.memory_space<vmem>>
    %dma_start3A_45 = arith.constant 0 : i32
    %dma_start3A_46 = tpu.memref_slice %arg9[%dma_start3A_42, %dma_start3A_45] : memref<4x128xi32, #tpu.memory_space<vmem>> -> memref<1x128xi32, #tpu.memory_space<vmem>>
    %dma_start3A_47 = tpu.memref_squeeze %dma_start3A_46 : memref<1x128xi32, #tpu.memory_space<vmem>> -> memref<128xi32, #tpu.memory_space<vmem>>
    %dma_start3A_48 = arith.constant 0 : i32
    %dma_start3A_49 = tpu.memref_slice %arg5[%dma_start3A_48] : memref<1015808xf32, #tpu.memory_space<hbm>> -> memref<1015808xf32, #tpu.memory_space<hbm>>
    tpu.enqueue_indirect_dma source(%dma_start3A_49 : memref<1015808xf32, #tpu.memory_space<hbm>>) target(%dma_start3A_44 : memref<128xf32, #tpu.memory_space<vmem>>) offsets(%dma_start3A_47 : memref<128xi32, #tpu.memory_space<vmem>>) semaphore(%arg14 : memref<!tpu.dma_semaphore, #tpu.memory_space<semaphore_mem>>)
    %dma_start3A_50 = arith.constant 3 : i32
    %dma_start3A_51 = arith.constant 384 : i32
    %dma_start3A_52 = tpu.memref_slice %arg10[%dma_start3A_51] : memref<512xf32, #tpu.memory_space<vmem>> -> memref<128xf32, #tpu.memory_space<vmem>>
    %dma_start3A_53 = arith.constant 0 : i32
    %dma_start3A_54 = tpu.memref_slice %arg8[%dma_start3A_50, %dma_start3A_53] : memref<4x128xi32, #tpu.memory_space<vmem>> -> memref<1x128xi32, #tpu.memory_space<vmem>>
    %dma_start3A_55 = tpu.memref_squeeze %dma_start3A_54 : memref<1x128xi32, #tpu.memory_space<vmem>> -> memref<128xi32, #tpu.memory_space<vmem>>
    %dma_start3A_56 = arith.constant 0 : i32
    %dma_start3A_57 = tpu.memref_slice %arg4[%dma_start3A_56] : memref<1015808xf32, #tpu.memory_space<hbm>> -> memref<1015808xf32, #tpu.memory_space<hbm>>
    tpu.enqueue_indirect_dma source(%dma_start3A_57 : memref<1015808xf32, #tpu.memory_space<hbm>>) target(%dma_start3A_52 : memref<128xf32, #tpu.memory_space<vmem>>) offsets(%dma_start3A_55 : memref<128xi32, #tpu.memory_space<vmem>>) semaphore(%arg14 : memref<!tpu.dma_semaphore, #tpu.memory_space<semaphore_mem>>)
    %dma_start3A_58 = arith.constant 3 : i32
    %dma_start3A_59 = arith.constant 384 : i32
    %dma_start3A_60 = tpu.memref_slice %arg11[%dma_start3A_59] : memref<512xf32, #tpu.memory_space<vmem>> -> memref<128xf32, #tpu.memory_space<vmem>>
    %dma_start3A_61 = arith.constant 0 : i32
    %dma_start3A_62 = tpu.memref_slice %arg9[%dma_start3A_58, %dma_start3A_61] : memref<4x128xi32, #tpu.memory_space<vmem>> -> memref<1x128xi32, #tpu.memory_space<vmem>>
    %dma_start3A_63 = tpu.memref_squeeze %dma_start3A_62 : memref<1x128xi32, #tpu.memory_space<vmem>> -> memref<128xi32, #tpu.memory_space<vmem>>
    %dma_start3A_64 = arith.constant 0 : i32
    %dma_start3A_65 = tpu.memref_slice %arg5[%dma_start3A_64] : memref<1015808xf32, #tpu.memory_space<hbm>> -> memref<1015808xf32, #tpu.memory_space<hbm>>
    tpu.enqueue_indirect_dma source(%dma_start3A_65 : memref<1015808xf32, #tpu.memory_space<hbm>>) target(%dma_start3A_60 : memref<128xf32, #tpu.memory_space<vmem>>) offsets(%dma_start3A_63 : memref<128xi32, #tpu.memory_space<vmem>>) semaphore(%arg14 : memref<!tpu.dma_semaphore, #tpu.memory_space<semaphore_mem>>)
    %dma_wait3A = arith.constant 0 : i32
    %dma_wait3A_66 = arith.constant 0 : i32
    %dma_wait3A_67 = tpu.memref_slice %arg10[%dma_wait3A_66] : memref<512xf32, #tpu.memory_space<vmem>> -> memref<128xf32, #tpu.memory_space<vmem>>
    %dma_wait3A_68 = arith.constant 0 : i32
    %dma_wait3A_69 = tpu.memref_slice %arg8[%dma_wait3A, %dma_wait3A_68] : memref<4x128xi32, #tpu.memory_space<vmem>> -> memref<1x128xi32, #tpu.memory_space<vmem>>
    %dma_wait3A_70 = tpu.memref_squeeze %dma_wait3A_69 : memref<1x128xi32, #tpu.memory_space<vmem>> -> memref<128xi32, #tpu.memory_space<vmem>>
    %dma_wait3A_71 = arith.constant 0 : i32
    %dma_wait3A_72 = tpu.memref_slice %arg4[%dma_wait3A_71] : memref<1015808xf32, #tpu.memory_space<hbm>> -> memref<1015808xf32, #tpu.memory_space<hbm>>
    tpu.wait_indirect_dma semaphore(%arg14 : memref<!tpu.dma_semaphore, #tpu.memory_space<semaphore_mem>>) src(%dma_wait3A_72 : memref<1015808xf32, #tpu.memory_space<hbm>>) dst(%dma_wait3A_67 : memref<128xf32, #tpu.memory_space<vmem>>)
    %dma_wait3A_73 = arith.constant 0 : i32
    %dma_wait3A_74 = arith.constant 0 : i32
    %dma_wait3A_75 = tpu.memref_slice %arg11[%dma_wait3A_74] : memref<512xf32, #tpu.memory_space<vmem>> -> memref<128xf32, #tpu.memory_space<vmem>>
    %dma_wait3A_76 = arith.constant 0 : i32
    %dma_wait3A_77 = tpu.memref_slice %arg9[%dma_wait3A_73, %dma_wait3A_76] : memref<4x128xi32, #tpu.memory_space<vmem>> -> memref<1x128xi32, #tpu.memory_space<vmem>>
    %dma_wait3A_78 = tpu.memref_squeeze %dma_wait3A_77 : memref<1x128xi32, #tpu.memory_space<vmem>> -> memref<128xi32, #tpu.memory_space<vmem>>
    %dma_wait3A_79 = arith.constant 0 : i32
    %dma_wait3A_80 = tpu.memref_slice %arg5[%dma_wait3A_79] : memref<1015808xf32, #tpu.memory_space<hbm>> -> memref<1015808xf32, #tpu.memory_space<hbm>>
    tpu.wait_indirect_dma semaphore(%arg14 : memref<!tpu.dma_semaphore, #tpu.memory_space<semaphore_mem>>) src(%dma_wait3A_80 : memref<1015808xf32, #tpu.memory_space<hbm>>) dst(%dma_wait3A_75 : memref<128xf32, #tpu.memory_space<vmem>>)
    %dma_wait3A_81 = arith.constant 1 : i32
    %dma_wait3A_82 = arith.constant 128 : i32
    %dma_wait3A_83 = tpu.memref_slice %arg10[%dma_wait3A_82] : memref<512xf32, #tpu.memory_space<vmem>> -> memref<128xf32, #tpu.memory_space<vmem>>
    %dma_wait3A_84 = arith.constant 0 : i32
    %dma_wait3A_85 = tpu.memref_slice %arg8[%dma_wait3A_81, %dma_wait3A_84] : memref<4x128xi32, #tpu.memory_space<vmem>> -> memref<1x128xi32, #tpu.memory_space<vmem>>
    %dma_wait3A_86 = tpu.memref_squeeze %dma_wait3A_85 : memref<1x128xi32, #tpu.memory_space<vmem>> -> memref<128xi32, #tpu.memory_space<vmem>>
    %dma_wait3A_87 = arith.constant 0 : i32
    %dma_wait3A_88 = tpu.memref_slice %arg4[%dma_wait3A_87] : memref<1015808xf32, #tpu.memory_space<hbm>> -> memref<1015808xf32, #tpu.memory_space<hbm>>
    tpu.wait_indirect_dma semaphore(%arg14 : memref<!tpu.dma_semaphore, #tpu.memory_space<semaphore_mem>>) src(%dma_wait3A_88 : memref<1015808xf32, #tpu.memory_space<hbm>>) dst(%dma_wait3A_83 : memref<128xf32, #tpu.memory_space<vmem>>)
    %dma_wait3A_89 = arith.constant 1 : i32
    %dma_wait3A_90 = arith.constant 128 : i32
    %dma_wait3A_91 = tpu.memref_slice %arg11[%dma_wait3A_90] : memref<512xf32, #tpu.memory_space<vmem>> -> memref<128xf32, #tpu.memory_space<vmem>>
    %dma_wait3A_92 = arith.constant 0 : i32
    %dma_wait3A_93 = tpu.memref_slice %arg9[%dma_wait3A_89, %dma_wait3A_92] : memref<4x128xi32, #tpu.memory_space<vmem>> -> memref<1x128xi32, #tpu.memory_space<vmem>>
    %dma_wait3A_94 = tpu.memref_squeeze %dma_wait3A_93 : memref<1x128xi32, #tpu.memory_space<vmem>> -> memref<128xi32, #tpu.memory_space<vmem>>
    %dma_wait3A_95 = arith.constant 0 : i32
    %dma_wait3A_96 = tpu.memref_slice %arg5[%dma_wait3A_95] : memref<1015808xf32, #tpu.memory_space<hbm>> -> memref<1015808xf32, #tpu.memory_space<hbm>>
    tpu.wait_indirect_dma semaphore(%arg14 : memref<!tpu.dma_semaphore, #tpu.memory_space<semaphore_mem>>) src(%dma_wait3A_96 : memref<1015808xf32, #tpu.memory_space<hbm>>) dst(%dma_wait3A_91 : memref<128xf32, #tpu.memory_space<vmem>>)
    %dma_wait3A_97 = arith.constant 2 : i32
    %dma_wait3A_98 = arith.constant 256 : i32
    %dma_wait3A_99 = tpu.memref_slice %arg10[%dma_wait3A_98] : memref<512xf32, #tpu.memory_space<vmem>> -> memref<128xf32, #tpu.memory_space<vmem>>
    %dma_wait3A_100 = arith.constant 0 : i32
    %dma_wait3A_101 = tpu.memref_slice %arg8[%dma_wait3A_97, %dma_wait3A_100] : memref<4x128xi32, #tpu.memory_space<vmem>> -> memref<1x128xi32, #tpu.memory_space<vmem>>
    %dma_wait3A_102 = tpu.memref_squeeze %dma_wait3A_101 : memref<1x128xi32, #tpu.memory_space<vmem>> -> memref<128xi32, #tpu.memory_space<vmem>>
    %dma_wait3A_103 = arith.constant 0 : i32
    %dma_wait3A_104 = tpu.memref_slice %arg4[%dma_wait3A_103] : memref<1015808xf32, #tpu.memory_space<hbm>> -> memref<1015808xf32, #tpu.memory_space<hbm>>
    tpu.wait_indirect_dma semaphore(%arg14 : memref<!tpu.dma_semaphore, #tpu.memory_space<semaphore_mem>>) src(%dma_wait3A_104 : memref<1015808xf32, #tpu.memory_space<hbm>>) dst(%dma_wait3A_99 : memref<128xf32, #tpu.memory_space<vmem>>)
    %dma_wait3A_105 = arith.constant 2 : i32
    %dma_wait3A_106 = arith.constant 256 : i32
    %dma_wait3A_107 = tpu.memref_slice %arg11[%dma_wait3A_106] : memref<512xf32, #tpu.memory_space<vmem>> -> memref<128xf32, #tpu.memory_space<vmem>>
    %dma_wait3A_108 = arith.constant 0 : i32
    %dma_wait3A_109 = tpu.memref_slice %arg9[%dma_wait3A_105, %dma_wait3A_108] : memref<4x128xi32, #tpu.memory_space<vmem>> -> memref<1x128xi32, #tpu.memory_space<vmem>>
    %dma_wait3A_110 = tpu.memref_squeeze %dma_wait3A_109 : memref<1x128xi32, #tpu.memory_space<vmem>> -> memref<128xi32, #tpu.memory_space<vmem>>
    %dma_wait3A_111 = arith.constant 0 : i32
    %dma_wait3A_112 = tpu.memref_slice %arg5[%dma_wait3A_111] : memref<1015808xf32, #tpu.memory_space<hbm>> -> memref<1015808xf32, #tpu.memory_space<hbm>>
    tpu.wait_indirect_dma semaphore(%arg14 : memref<!tpu.dma_semaphore, #tpu.memory_space<semaphore_mem>>) src(%dma_wait3A_112 : memref<1015808xf32, #tpu.memory_space<hbm>>) dst(%dma_wait3A_107 : memref<128xf32, #tpu.memory_space<vmem>>)
    %dma_wait3A_113 = arith.constant 3 : i32
    %dma_wait3A_114 = arith.constant 384 : i32
    %dma_wait3A_115 = tpu.memref_slice %arg10[%dma_wait3A_114] : memref<512xf32, #tpu.memory_space<vmem>> -> memref<128xf32, #tpu.memory_space<vmem>>
    %dma_wait3A_116 = arith.constant 0 : i32
    %dma_wait3A_117 = tpu.memref_slice %arg8[%dma_wait3A_113, %dma_wait3A_116] : memref<4x128xi32, #tpu.memory_space<vmem>> -> memref<1x128xi32, #tpu.memory_space<vmem>>
    %dma_wait3A_118 = tpu.memref_squeeze %dma_wait3A_117 : memref<1x128xi32, #tpu.memory_space<vmem>> -> memref<128xi32, #tpu.memory_space<vmem>>
    %dma_wait3A_119 = arith.constant 0 : i32
    %dma_wait3A_120 = tpu.memref_slice %arg4[%dma_wait3A_119] : memref<1015808xf32, #tpu.memory_space<hbm>> -> memref<1015808xf32, #tpu.memory_space<hbm>>
    tpu.wait_indirect_dma semaphore(%arg14 : memref<!tpu.dma_semaphore, #tpu.memory_space<semaphore_mem>>) src(%dma_wait3A_120 : memref<1015808xf32, #tpu.memory_space<hbm>>) dst(%dma_wait3A_115 : memref<128xf32, #tpu.memory_space<vmem>>)
    %dma_wait3A_121 = arith.constant 3 : i32
    %dma_wait3A_122 = arith.constant 384 : i32
    %dma_wait3A_123 = tpu.memref_slice %arg11[%dma_wait3A_122] : memref<512xf32, #tpu.memory_space<vmem>> -> memref<128xf32, #tpu.memory_space<vmem>>
    %dma_wait3A_124 = arith.constant 0 : i32
    %dma_wait3A_125 = tpu.memref_slice %arg9[%dma_wait3A_121, %dma_wait3A_124] : memref<4x128xi32, #tpu.memory_space<vmem>> -> memref<1x128xi32, #tpu.memory_space<vmem>>
    %dma_wait3A_126 = tpu.memref_squeeze %dma_wait3A_125 : memref<1x128xi32, #tpu.memory_space<vmem>> -> memref<128xi32, #tpu.memory_space<vmem>>
    %dma_wait3A_127 = arith.constant 0 : i32
    %dma_wait3A_128 = tpu.memref_slice %arg5[%dma_wait3A_127] : memref<1015808xf32, #tpu.memory_space<hbm>> -> memref<1015808xf32, #tpu.memory_space<hbm>>
    tpu.wait_indirect_dma semaphore(%arg14 : memref<!tpu.dma_semaphore, #tpu.memory_space<semaphore_mem>>) src(%dma_wait3A_128 : memref<1015808xf32, #tpu.memory_space<hbm>>) dst(%dma_wait3A_123 : memref<128xf32, #tpu.memory_space<vmem>>)
    %get3A = arith.constant 0 : index
    %get3A_129 = tpu.vector_load %arg12[%get3A] {strides = array<i32>} : memref<16xf32, #tpu.memory_space<vmem>>, vector<16xf32>,
    %broadcast_in_dim3A = arith.constant 0 : i32
    %broadcast_in_dim3A_130 = vector.broadcast %broadcast_in_dim3A : i32 to vector<16xi32>
    %lt3A = arith.constant 0 : i32
    %lt3A_131 = vector.broadcast %lt3A : i32 to vector<16xi32>
    %lt3A_132 = arith.cmpi slt, %broadcast_in_dim3A_130, %lt3A_131 : vector<16xi32>
    %add3A_133 = arith.constant 16 : i32
    %add3A_134 = vector.broadcast %add3A_133 : i32 to vector<16xi32>
    %add3A_135 = arith.addi %broadcast_in_dim3A_130, %add3A_134 : vector<16xi32>
    %select_n3A = arith.select %lt3A_132, %add3A_135, %broadcast_in_dim3A_130 : vector<16xi1>, vector<16xi32>
    %broadcast_in_dim3A_136 = vector.shape_cast %select_n3A : vector<16xi32> to vector<16x1xi32>
    %gather3A = vector.shape_cast %broadcast_in_dim3A_136 : vector<16x1xi32> to vector<16xi32>
    %gather3A_137 = tpu.dynamic_gather %get3A_129[%gather3A] in [0] : vector<16xf32>, vector<16xi32> -> vector<16xf32>
    %get3A_138 = arith.constant 0 : index
    %get3A_139 = tpu.vector_load %arg10[%get3A_138] {strides = array<i32>} : memref<512xf32, #tpu.memory_space<vmem>>, vector<16xf32>,
    %get3A_140 = arith.constant 0 : index
    %get3A_141 = tpu.vector_load %arg11[%get3A_140] {strides = array<i32>} : memref<512xf32, #tpu.memory_space<vmem>>, vector<16xf32>,
    %add3A_142 = arith.addf %get3A_139, %get3A_141 : vector<16xf32>
    %add3A_143 = arith.addf %add3A_142, %gather3A_137 : vector<16xf32>
    %swap3A = arith.constant 0 : index
    %swap3A_144 = tpu.vector_load %arg13[%swap3A] {strides = array<i32>} : memref<512xf32, #tpu.memory_space<vmem>>, vector<16xf32>,
    tpu.vector_store %arg13[%swap3A], %add3A_143 {strides = array<i32>} : memref<512xf32, #tpu.memory_space<vmem>>, vector<16xf32>,
    %get3A_145 = arith.constant 16 : index
    %get3A_146 = tpu.vector_load %arg10[%get3A_145] {strides = array<i32>} : memref<512xf32, #tpu.memory_space<vmem>>, vector<16xf32>,
    %get3A_147 = arith.constant 16 : index
    %get3A_148 = tpu.vector_load %arg11[%get3A_147] {strides = array<i32>} : memref<512xf32, #tpu.memory_space<vmem>>, vector<16xf32>,
    %add3A_149 = arith.addf %get3A_146, %get3A_148 : vector<16xf32>
    %add3A_150 = arith.addf %add3A_149, %gather3A_137 : vector<16xf32>
    %swap3A_151 = arith.constant 16 : index
    %swap3A_152 = tpu.vector_load %arg13[%swap3A_151] {strides = array<i32>} : memref<512xf32, #tpu.memory_space<vmem>>, vector<16xf32>,
    tpu.vector_store %arg13[%swap3A_151], %add3A_150 {strides = array<i32>} : memref<512xf32, #tpu.memory_space<vmem>>, vector<16xf32>,
    %get3A_153 = arith.constant 32 : index
    %get3A_154 = tpu.vector_load %arg10[%get3A_153] {strides = array<i32>} : memref<512xf32, #tpu.memory_space<vmem>>, vector<16xf32>,
    %get3A_155 = arith.constant 32 : index
    %get3A_156 = tpu.vector_load %arg11[%get3A_155] {strides = array<i32>} : memref<512xf32, #tpu.memory_space<vmem>>, vector<16xf32>,
    %add3A_157 = arith.addf %get3A_154, %get3A_156 : vector<16xf32>
    %add3A_158 = arith.addf %add3A_157, %gather3A_137 : vector<16xf32>
    %swap3A_159 = arith.constant 32 : index
    %swap3A_160 = tpu.vector_load %arg13[%swap3A_159] {strides = array<i32>} : memref<512xf32, #tpu.memory_space<vmem>>, vector<16xf32>,
    tpu.vector_store %arg13[%swap3A_159], %add3A_158 {strides = array<i32>} : memref<512xf32, #tpu.memory_space<vmem>>, vector<16xf32>,
    %get3A_161 = arith.constant 48 : index
    %get3A_162 = tpu.vector_load %arg10[%get3A_161] {strides = array<i32>} : memref<512xf32, #tpu.memory_space<vmem>>, vector<16xf32>,
    %get3A_163 = arith.constant 48 : index
    %get3A_164 = tpu.vector_load %arg11[%get3A_163] {strides = array<i32>} : memref<512xf32, #tpu.memory_space<vmem>>, vector<16xf32>,
    %add3A_165 = arith.addf %get3A_162, %get3A_164 : vector<16xf32>
    %add3A_166 = arith.addf %add3A_165, %gather3A_137 : vector<16xf32>
    %swap3A_167 = arith.constant 48 : index
    %swap3A_168 = tpu.vector_load %arg13[%swap3A_167] {strides = array<i32>} : memref<512xf32, #tpu.memory_space<vmem>>, vector<16xf32>,
    tpu.vector_store %arg13[%swap3A_167], %add3A_166 {strides = array<i32>} : memref<512xf32, #tpu.memory_space<vmem>>, vector<16xf32>,
    %get3A_169 = arith.constant 64 : index
    %get3A_170 = tpu.vector_load %arg10[%get3A_169] {strides = array<i32>} : memref<512xf32, #tpu.memory_space<vmem>>, vector<16xf32>,
    %get3A_171 = arith.constant 64 : index
    %get3A_172 = tpu.vector_load %arg11[%get3A_171] {strides = array<i32>} : memref<512xf32, #tpu.memory_space<vmem>>, vector<16xf32>,
    %add3A_173 = arith.addf %get3A_170, %get3A_172 : vector<16xf32>
    %add3A_174 = arith.addf %add3A_173, %gather3A_137 : vector<16xf32>
    %swap3A_175 = arith.constant 64 : index
    %swap3A_176 = tpu.vector_load %arg13[%swap3A_175] {strides = array<i32>} : memref<512xf32, #tpu.memory_space<vmem>>, vector<16xf32>,
    tpu.vector_store %arg13[%swap3A_175], %add3A_174 {strides = array<i32>} : memref<512xf32, #tpu.memory_space<vmem>>, vector<16xf32>,
    %get3A_177 = arith.constant 80 : index
    %get3A_178 = tpu.vector_load %arg10[%get3A_177] {strides = array<i32>} : memref<512xf32, #tpu.memory_space<vmem>>, vector<16xf32>,
    %get3A_179 = arith.constant 80 : index
    %get3A_180 = tpu.vector_load %arg11[%get3A_179] {strides = array<i32>} : memref<512xf32, #tpu.memory_space<vmem>>, vector<16xf32>,
    %add3A_181 = arith.addf %get3A_178, %get3A_180 : vector<16xf32>
    %add3A_182 = arith.addf %add3A_181, %gather3A_137 : vector<16xf32>
    %swap3A_183 = arith.constant 80 : index
    %swap3A_184 = tpu.vector_load %arg13[%swap3A_183] {strides = array<i32>} : memref<512xf32, #tpu.memory_space<vmem>>, vector<16xf32>,
    tpu.vector_store %arg13[%swap3A_183], %add3A_182 {strides = array<i32>} : memref<512xf32, #tpu.memory_space<vmem>>, vector<16xf32>,
    %get3A_185 = arith.constant 96 : index
    %get3A_186 = tpu.vector_load %arg10[%get3A_185] {strides = array<i32>} : memref<512xf32, #tpu.memory_space<vmem>>, vector<16xf32>,
    %get3A_187 = arith.constant 96 : index
    %get3A_188 = tpu.vector_load %arg11[%get3A_187] {strides = array<i32>} : memref<512xf32, #tpu.memory_space<vmem>>, vector<16xf32>,
    %add3A_189 = arith.addf %get3A_186, %get3A_188 : vector<16xf32>
    %add3A_190 = arith.addf %add3A_189, %gather3A_137 : vector<16xf32>
    %swap3A_191 = arith.constant 96 : index
    %swap3A_192 = tpu.vector_load %arg13[%swap3A_191] {strides = array<i32>} : memref<512xf32, #tpu.memory_space<vmem>>, vector<16xf32>,
    tpu.vector_store %arg13[%swap3A_191], %add3A_190 {strides = array<i32>} : memref<512xf32, #tpu.memory_space<vmem>>, vector<16xf32>,
    %get3A_193 = arith.constant 112 : index
    %get3A_194 = tpu.vector_load %arg10[%get3A_193] {strides = array<i32>} : memref<512xf32, #tpu.memory_space<vmem>>, vector<16xf32>,
    %get3A_195 = arith.constant 112 : index
    %get3A_196 = tpu.vector_load %arg11[%get3A_195] {strides = array<i32>} : memref<512xf32, #tpu.memory_space<vmem>>, vector<16xf32>,
    %add3A_197 = arith.addf %get3A_194, %get3A_196 : vector<16xf32>
    %add3A_198 = arith.addf %add3A_197, %gather3A_137 : vector<16xf32>
    %swap3A_199 = arith.constant 112 : index
    %swap3A_200 = tpu.vector_load %arg13[%swap3A_199] {strides = array<i32>} : memref<512xf32, #tpu.memory_space<vmem>>, vector<16xf32>,
    tpu.vector_store %arg13[%swap3A_199], %add3A_198 {strides = array<i32>} : memref<512xf32, #tpu.memory_space<vmem>>, vector<16xf32>,
    %get3A_201 = arith.constant 128 : index
    %get3A_202 = tpu.vector_load %arg10[%get3A_201] {strides = array<i32>} : memref<512xf32, #tpu.memory_space<vmem>>, vector<16xf32>,
    %get3A_203 = arith.constant 128 : index
    %get3A_204 = tpu.vector_load %arg11[%get3A_203] {strides = array<i32>} : memref<512xf32, #tpu.memory_space<vmem>>, vector<16xf32>,
    %add3A_205 = arith.addf %get3A_202, %get3A_204 : vector<16xf32>
    %add3A_206 = arith.addf %add3A_205, %gather3A_137 : vector<16xf32>
    %swap3A_207 = arith.constant 128 : index
    %swap3A_208 = tpu.vector_load %arg13[%swap3A_207] {strides = array<i32>} : memref<512xf32, #tpu.memory_space<vmem>>, vector<16xf32>,
    tpu.vector_store %arg13[%swap3A_207], %add3A_206 {strides = array<i32>} : memref<512xf32, #tpu.memory_space<vmem>>, vector<16xf32>,
    %get3A_209 = arith.constant 144 : index
    %get3A_210 = tpu.vector_load %arg10[%get3A_209] {strides = array<i32>} : memref<512xf32, #tpu.memory_space<vmem>>, vector<16xf32>,
    %get3A_211 = arith.constant 144 : index
    %get3A_212 = tpu.vector_load %arg11[%get3A_211] {strides = array<i32>} : memref<512xf32, #tpu.memory_space<vmem>>, vector<16xf32>,
    %add3A_213 = arith.addf %get3A_210, %get3A_212 : vector<16xf32>
    %add3A_214 = arith.addf %add3A_213, %gather3A_137 : vector<16xf32>
    %swap3A_215 = arith.constant 144 : index
    %swap3A_216 = tpu.vector_load %arg13[%swap3A_215] {strides = array<i32>} : memref<512xf32, #tpu.memory_space<vmem>>, vector<16xf32>,
    tpu.vector_store %arg13[%swap3A_215], %add3A_214 {strides = array<i32>} : memref<512xf32, #tpu.memory_space<vmem>>, vector<16xf32>,
    %get3A_217 = arith.constant 160 : index
    %get3A_218 = tpu.vector_load %arg10[%get3A_217] {strides = array<i32>} : memref<512xf32, #tpu.memory_space<vmem>>, vector<16xf32>,
    %get3A_219 = arith.constant 160 : index
    %get3A_220 = tpu.vector_load %arg11[%get3A_219] {strides = array<i32>} : memref<512xf32, #tpu.memory_space<vmem>>, vector<16xf32>,
    %add3A_221 = arith.addf %get3A_218, %get3A_220 : vector<16xf32>
    %add3A_222 = arith.addf %add3A_221, %gather3A_137 : vector<16xf32>
    %swap3A_223 = arith.constant 160 : index
    %swap3A_224 = tpu.vector_load %arg13[%swap3A_223] {strides = array<i32>} : memref<512xf32, #tpu.memory_space<vmem>>, vector<16xf32>,
    tpu.vector_store %arg13[%swap3A_223], %add3A_222 {strides = array<i32>} : memref<512xf32, #tpu.memory_space<vmem>>, vector<16xf32>,
    %get3A_225 = arith.constant 176 : index
    %get3A_226 = tpu.vector_load %arg10[%get3A_225] {strides = array<i32>} : memref<512xf32, #tpu.memory_space<vmem>>, vector<16xf32>,
    %get3A_227 = arith.constant 176 : index
    %get3A_228 = tpu.vector_load %arg11[%get3A_227] {strides = array<i32>} : memref<512xf32, #tpu.memory_space<vmem>>, vector<16xf32>,
    %add3A_229 = arith.addf %get3A_226, %get3A_228 : vector<16xf32>
    %add3A_230 = arith.addf %add3A_229, %gather3A_137 : vector<16xf32>
    %swap3A_231 = arith.constant 176 : index
    %swap3A_232 = tpu.vector_load %arg13[%swap3A_231] {strides = array<i32>} : memref<512xf32, #tpu.memory_space<vmem>>, vector<16xf32>,
    tpu.vector_store %arg13[%swap3A_231], %add3A_230 {strides = array<i32>} : memref<512xf32, #tpu.memory_space<vmem>>, vector<16xf32>,
    %get3A_233 = arith.constant 192 : index
    %get3A_234 = tpu.vector_load %arg10[%get3A_233] {strides = array<i32>} : memref<512xf32, #tpu.memory_space<vmem>>, vector<16xf32>,
    %get3A_235 = arith.constant 192 : index
    %get3A_236 = tpu.vector_load %arg11[%get3A_235] {strides = array<i32>} : memref<512xf32, #tpu.memory_space<vmem>>, vector<16xf32>,
    %add3A_237 = arith.addf %get3A_234, %get3A_236 : vector<16xf32>
    %add3A_238 = arith.addf %add3A_237, %gather3A_137 : vector<16xf32>
    %swap3A_239 = arith.constant 192 : index
    %swap3A_240 = tpu.vector_load %arg13[%swap3A_239] {strides = array<i32>} : memref<512xf32, #tpu.memory_space<vmem>>, vector<16xf32>,
    tpu.vector_store %arg13[%swap3A_239], %add3A_238 {strides = array<i32>} : memref<512xf32, #tpu.memory_space<vmem>>, vector<16xf32>,
    %get3A_241 = arith.constant 208 : index
    %get3A_242 = tpu.vector_load %arg10[%get3A_241] {strides = array<i32>} : memref<512xf32, #tpu.memory_space<vmem>>, vector<16xf32>,
    %get3A_243 = arith.constant 208 : index
    %get3A_244 = tpu.vector_load %arg11[%get3A_243] {strides = array<i32>} : memref<512xf32, #tpu.memory_space<vmem>>, vector<16xf32>,
    %add3A_245 = arith.addf %get3A_242, %get3A_244 : vector<16xf32>
    %add3A_246 = arith.addf %add3A_245, %gather3A_137 : vector<16xf32>
    %swap3A_247 = arith.constant 208 : index
    %swap3A_248 = tpu.vector_load %arg13[%swap3A_247] {strides = array<i32>} : memref<512xf32, #tpu.memory_space<vmem>>, vector<16xf32>,
    tpu.vector_store %arg13[%swap3A_247], %add3A_246 {strides = array<i32>} : memref<512xf32, #tpu.memory_space<vmem>>, vector<16xf32>,
    %get3A_249 = arith.constant 224 : index
    %get3A_250 = tpu.vector_load %arg10[%get3A_249] {strides = array<i32>} : memref<512xf32, #tpu.memory_space<vmem>>, vector<16xf32>,
    %get3A_251 = arith.constant 224 : index
    %get3A_252 = tpu.vector_load %arg11[%get3A_251] {strides = array<i32>} : memref<512xf32, #tpu.memory_space<vmem>>, vector<16xf32>,
    %add3A_253 = arith.addf %get3A_250, %get3A_252 : vector<16xf32>
    %add3A_254 = arith.addf %add3A_253, %gather3A_137 : vector<16xf32>
    %swap3A_255 = arith.constant 224 : index
    %swap3A_256 = tpu.vector_load %arg13[%swap3A_255] {strides = array<i32>} : memref<512xf32, #tpu.memory_space<vmem>>, vector<16xf32>,
    tpu.vector_store %arg13[%swap3A_255], %add3A_254 {strides = array<i32>} : memref<512xf32, #tpu.memory_space<vmem>>, vector<16xf32>,
    %get3A_257 = arith.constant 240 : index
    %get3A_258 = tpu.vector_load %arg10[%get3A_257] {strides = array<i32>} : memref<512xf32, #tpu.memory_space<vmem>>, vector<16xf32>,
    %get3A_259 = arith.constant 240 : index
    %get3A_260 = tpu.vector_load %arg11[%get3A_259] {strides = array<i32>} : memref<512xf32, #tpu.memory_space<vmem>>, vector<16xf32>,
    %add3A_261 = arith.addf %get3A_258, %get3A_260 : vector<16xf32>
    %add3A_262 = arith.addf %add3A_261, %gather3A_137 : vector<16xf32>
    %swap3A_263 = arith.constant 240 : index
    %swap3A_264 = tpu.vector_load %arg13[%swap3A_263] {strides = array<i32>} : memref<512xf32, #tpu.memory_space<vmem>>, vector<16xf32>,
    tpu.vector_store %arg13[%swap3A_263], %add3A_262 {strides = array<i32>} : memref<512xf32, #tpu.memory_space<vmem>>, vector<16xf32>,
    %get3A_265 = arith.constant 256 : index
    %get3A_266 = tpu.vector_load %arg10[%get3A_265] {strides = array<i32>} : memref<512xf32, #tpu.memory_space<vmem>>, vector<16xf32>,
    %get3A_267 = arith.constant 256 : index
    %get3A_268 = tpu.vector_load %arg11[%get3A_267] {strides = array<i32>} : memref<512xf32, #tpu.memory_space<vmem>>, vector<16xf32>,
    %add3A_269 = arith.addf %get3A_266, %get3A_268 : vector<16xf32>
    %add3A_270 = arith.addf %add3A_269, %gather3A_137 : vector<16xf32>
    %swap3A_271 = arith.constant 256 : index
    %swap3A_272 = tpu.vector_load %arg13[%swap3A_271] {strides = array<i32>} : memref<512xf32, #tpu.memory_space<vmem>>, vector<16xf32>,
    tpu.vector_store %arg13[%swap3A_271], %add3A_270 {strides = array<i32>} : memref<512xf32, #tpu.memory_space<vmem>>, vector<16xf32>,
    %get3A_273 = arith.constant 272 : index
    %get3A_274 = tpu.vector_load %arg10[%get3A_273] {strides = array<i32>} : memref<512xf32, #tpu.memory_space<vmem>>, vector<16xf32>,
    %get3A_275 = arith.constant 272 : index
    %get3A_276 = tpu.vector_load %arg11[%get3A_275] {strides = array<i32>} : memref<512xf32, #tpu.memory_space<vmem>>, vector<16xf32>,
    %add3A_277 = arith.addf %get3A_274, %get3A_276 : vector<16xf32>
    %add3A_278 = arith.addf %add3A_277, %gather3A_137 : vector<16xf32>
    %swap3A_279 = arith.constant 272 : index
    %swap3A_280 = tpu.vector_load %arg13[%swap3A_279] {strides = array<i32>} : memref<512xf32, #tpu.memory_space<vmem>>, vector<16xf32>,
    tpu.vector_store %arg13[%swap3A_279], %add3A_278 {strides = array<i32>} : memref<512xf32, #tpu.memory_space<vmem>>, vector<16xf32>,
    %get3A_281 = arith.constant 288 : index
    %get3A_282 = tpu.vector_load %arg10[%get3A_281] {strides = array<i32>} : memref<512xf32, #tpu.memory_space<vmem>>, vector<16xf32>,
    %get3A_283 = arith.constant 288 : index
    %get3A_284 = tpu.vector_load %arg11[%get3A_283] {strides = array<i32>} : memref<512xf32, #tpu.memory_space<vmem>>, vector<16xf32>,
    %add3A_285 = arith.addf %get3A_282, %get3A_284 : vector<16xf32>
    %add3A_286 = arith.addf %add3A_285, %gather3A_137 : vector<16xf32>
    %swap3A_287 = arith.constant 288 : index
    %swap3A_288 = tpu.vector_load %arg13[%swap3A_287] {strides = array<i32>} : memref<512xf32, #tpu.memory_space<vmem>>, vector<16xf32>,
    tpu.vector_store %arg13[%swap3A_287], %add3A_286 {strides = array<i32>} : memref<512xf32, #tpu.memory_space<vmem>>, vector<16xf32>,
    %get3A_289 = arith.constant 304 : index
    %get3A_290 = tpu.vector_load %arg10[%get3A_289] {strides = array<i32>} : memref<512xf32, #tpu.memory_space<vmem>>, vector<16xf32>,
    %get3A_291 = arith.constant 304 : index
    %get3A_292 = tpu.vector_load %arg11[%get3A_291] {strides = array<i32>} : memref<512xf32, #tpu.memory_space<vmem>>, vector<16xf32>,
    %add3A_293 = arith.addf %get3A_290, %get3A_292 : vector<16xf32>
    %add3A_294 = arith.addf %add3A_293, %gather3A_137 : vector<16xf32>
    %swap3A_295 = arith.constant 304 : index
    %swap3A_296 = tpu.vector_load %arg13[%swap3A_295] {strides = array<i32>} : memref<512xf32, #tpu.memory_space<vmem>>, vector<16xf32>,
    tpu.vector_store %arg13[%swap3A_295], %add3A_294 {strides = array<i32>} : memref<512xf32, #tpu.memory_space<vmem>>, vector<16xf32>,
    %get3A_297 = arith.constant 320 : index
    %get3A_298 = tpu.vector_load %arg10[%get3A_297] {strides = array<i32>} : memref<512xf32, #tpu.memory_space<vmem>>, vector<16xf32>,
    %get3A_299 = arith.constant 320 : index
    %get3A_300 = tpu.vector_load %arg11[%get3A_299] {strides = array<i32>} : memref<512xf32, #tpu.memory_space<vmem>>, vector<16xf32>,
    %add3A_301 = arith.addf %get3A_298, %get3A_300 : vector<16xf32>
    %add3A_302 = arith.addf %add3A_301, %gather3A_137 : vector<16xf32>
    %swap3A_303 = arith.constant 320 : index
    %swap3A_304 = tpu.vector_load %arg13[%swap3A_303] {strides = array<i32>} : memref<512xf32, #tpu.memory_space<vmem>>, vector<16xf32>,
    tpu.vector_store %arg13[%swap3A_303], %add3A_302 {strides = array<i32>} : memref<512xf32, #tpu.memory_space<vmem>>, vector<16xf32>,
    %get3A_305 = arith.constant 336 : index
    %get3A_306 = tpu.vector_load %arg10[%get3A_305] {strides = array<i32>} : memref<512xf32, #tpu.memory_space<vmem>>, vector<16xf32>,
    %get3A_307 = arith.constant 336 : index
    %get3A_308 = tpu.vector_load %arg11[%get3A_307] {strides = array<i32>} : memref<512xf32, #tpu.memory_space<vmem>>, vector<16xf32>,
    %add3A_309 = arith.addf %get3A_306, %get3A_308 : vector<16xf32>
    %add3A_310 = arith.addf %add3A_309, %gather3A_137 : vector<16xf32>
    %swap3A_311 = arith.constant 336 : index
    %swap3A_312 = tpu.vector_load %arg13[%swap3A_311] {strides = array<i32>} : memref<512xf32, #tpu.memory_space<vmem>>, vector<16xf32>,
    tpu.vector_store %arg13[%swap3A_311], %add3A_310 {strides = array<i32>} : memref<512xf32, #tpu.memory_space<vmem>>, vector<16xf32>,
    %get3A_313 = arith.constant 352 : index
    %get3A_314 = tpu.vector_load %arg10[%get3A_313] {strides = array<i32>} : memref<512xf32, #tpu.memory_space<vmem>>, vector<16xf32>,
    %get3A_315 = arith.constant 352 : index
    %get3A_316 = tpu.vector_load %arg11[%get3A_315] {strides = array<i32>} : memref<512xf32, #tpu.memory_space<vmem>>, vector<16xf32>,
    %add3A_317 = arith.addf %get3A_314, %get3A_316 : vector<16xf32>
    %add3A_318 = arith.addf %add3A_317, %gather3A_137 : vector<16xf32>
    %swap3A_319 = arith.constant 352 : index
    %swap3A_320 = tpu.vector_load %arg13[%swap3A_319] {strides = array<i32>} : memref<512xf32, #tpu.memory_space<vmem>>, vector<16xf32>,
    tpu.vector_store %arg13[%swap3A_319], %add3A_318 {strides = array<i32>} : memref<512xf32, #tpu.memory_space<vmem>>, vector<16xf32>,
    %get3A_321 = arith.constant 368 : index
    %get3A_322 = tpu.vector_load %arg10[%get3A_321] {strides = array<i32>} : memref<512xf32, #tpu.memory_space<vmem>>, vector<16xf32>,
    %get3A_323 = arith.constant 368 : index
    %get3A_324 = tpu.vector_load %arg11[%get3A_323] {strides = array<i32>} : memref<512xf32, #tpu.memory_space<vmem>>, vector<16xf32>,
    %add3A_325 = arith.addf %get3A_322, %get3A_324 : vector<16xf32>
    %add3A_326 = arith.addf %add3A_325, %gather3A_137 : vector<16xf32>
    %swap3A_327 = arith.constant 368 : index
    %swap3A_328 = tpu.vector_load %arg13[%swap3A_327] {strides = array<i32>} : memref<512xf32, #tpu.memory_space<vmem>>, vector<16xf32>,
    tpu.vector_store %arg13[%swap3A_327], %add3A_326 {strides = array<i32>} : memref<512xf32, #tpu.memory_space<vmem>>, vector<16xf32>,
    %get3A_329 = arith.constant 384 : index
    %get3A_330 = tpu.vector_load %arg10[%get3A_329] {strides = array<i32>} : memref<512xf32, #tpu.memory_space<vmem>>, vector<16xf32>,
    %get3A_331 = arith.constant 384 : index
    %get3A_332 = tpu.vector_load %arg11[%get3A_331] {strides = array<i32>} : memref<512xf32, #tpu.memory_space<vmem>>, vector<16xf32>,
    %add3A_333 = arith.addf %get3A_330, %get3A_332 : vector<16xf32>
    %add3A_334 = arith.addf %add3A_333, %gather3A_137 : vector<16xf32>
    %swap3A_335 = arith.constant 384 : index
    %swap3A_336 = tpu.vector_load %arg13[%swap3A_335] {strides = array<i32>} : memref<512xf32, #tpu.memory_space<vmem>>, vector<16xf32>,
    tpu.vector_store %arg13[%swap3A_335], %add3A_334 {strides = array<i32>} : memref<512xf32, #tpu.memory_space<vmem>>, vector<16xf32>,
    %get3A_337 = arith.constant 400 : index
    %get3A_338 = tpu.vector_load %arg10[%get3A_337] {strides = array<i32>} : memref<512xf32, #tpu.memory_space<vmem>>, vector<16xf32>,
    %get3A_339 = arith.constant 400 : index
    %get3A_340 = tpu.vector_load %arg11[%get3A_339] {strides = array<i32>} : memref<512xf32, #tpu.memory_space<vmem>>, vector<16xf32>,
    %add3A_341 = arith.addf %get3A_338, %get3A_340 : vector<16xf32>
    %add3A_342 = arith.addf %add3A_341, %gather3A_137 : vector<16xf32>
    %swap3A_343 = arith.constant 400 : index
    %swap3A_344 = tpu.vector_load %arg13[%swap3A_343] {strides = array<i32>} : memref<512xf32, #tpu.memory_space<vmem>>, vector<16xf32>,
    tpu.vector_store %arg13[%swap3A_343], %add3A_342 {strides = array<i32>} : memref<512xf32, #tpu.memory_space<vmem>>, vector<16xf32>,
    %get3A_345 = arith.constant 416 : index
    %get3A_346 = tpu.vector_load %arg10[%get3A_345] {strides = array<i32>} : memref<512xf32, #tpu.memory_space<vmem>>, vector<16xf32>,
    %get3A_347 = arith.constant 416 : index
    %get3A_348 = tpu.vector_load %arg11[%get3A_347] {strides = array<i32>} : memref<512xf32, #tpu.memory_space<vmem>>, vector<16xf32>,
    %add3A_349 = arith.addf %get3A_346, %get3A_348 : vector<16xf32>
    %add3A_350 = arith.addf %add3A_349, %gather3A_137 : vector<16xf32>
    %swap3A_351 = arith.constant 416 : index
    %swap3A_352 = tpu.vector_load %arg13[%swap3A_351] {strides = array<i32>} : memref<512xf32, #tpu.memory_space<vmem>>, vector<16xf32>,
    tpu.vector_store %arg13[%swap3A_351], %add3A_350 {strides = array<i32>} : memref<512xf32, #tpu.memory_space<vmem>>, vector<16xf32>,
    %get3A_353 = arith.constant 432 : index
    %get3A_354 = tpu.vector_load %arg10[%get3A_353] {strides = array<i32>} : memref<512xf32, #tpu.memory_space<vmem>>, vector<16xf32>,
    %get3A_355 = arith.constant 432 : index
    %get3A_356 = tpu.vector_load %arg11[%get3A_355] {strides = array<i32>} : memref<512xf32, #tpu.memory_space<vmem>>, vector<16xf32>,
    %add3A_357 = arith.addf %get3A_354, %get3A_356 : vector<16xf32>
    %add3A_358 = arith.addf %add3A_357, %gather3A_137 : vector<16xf32>
    %swap3A_359 = arith.constant 432 : index
    %swap3A_360 = tpu.vector_load %arg13[%swap3A_359] {strides = array<i32>} : memref<512xf32, #tpu.memory_space<vmem>>, vector<16xf32>,
    tpu.vector_store %arg13[%swap3A_359], %add3A_358 {strides = array<i32>} : memref<512xf32, #tpu.memory_space<vmem>>, vector<16xf32>,
    %get3A_361 = arith.constant 448 : index
    %get3A_362 = tpu.vector_load %arg10[%get3A_361] {strides = array<i32>} : memref<512xf32, #tpu.memory_space<vmem>>, vector<16xf32>,
    %get3A_363 = arith.constant 448 : index
    %get3A_364 = tpu.vector_load %arg11[%get3A_363] {strides = array<i32>} : memref<512xf32, #tpu.memory_space<vmem>>, vector<16xf32>,
    %add3A_365 = arith.addf %get3A_362, %get3A_364 : vector<16xf32>
    %add3A_366 = arith.addf %add3A_365, %gather3A_137 : vector<16xf32>
    %swap3A_367 = arith.constant 448 : index
    %swap3A_368 = tpu.vector_load %arg13[%swap3A_367] {strides = array<i32>} : memref<512xf32, #tpu.memory_space<vmem>>, vector<16xf32>,
    tpu.vector_store %arg13[%swap3A_367], %add3A_366 {strides = array<i32>} : memref<512xf32, #tpu.memory_space<vmem>>, vector<16xf32>,
    %get3A_369 = arith.constant 464 : index
    %get3A_370 = tpu.vector_load %arg10[%get3A_369] {strides = array<i32>} : memref<512xf32, #tpu.memory_space<vmem>>, vector<16xf32>,
    %get3A_371 = arith.constant 464 : index
    %get3A_372 = tpu.vector_load %arg11[%get3A_371] {strides = array<i32>} : memref<512xf32, #tpu.memory_space<vmem>>, vector<16xf32>,
    %add3A_373 = arith.addf %get3A_370, %get3A_372 : vector<16xf32>
    %add3A_374 = arith.addf %add3A_373, %gather3A_137 : vector<16xf32>
    %swap3A_375 = arith.constant 464 : index
    %swap3A_376 = tpu.vector_load %arg13[%swap3A_375] {strides = array<i32>} : memref<512xf32, #tpu.memory_space<vmem>>, vector<16xf32>,
    tpu.vector_store %arg13[%swap3A_375], %add3A_374 {strides = array<i32>} : memref<512xf32, #tpu.memory_space<vmem>>, vector<16xf32>,
    %get3A_377 = arith.constant 480 : index
    %get3A_378 = tpu.vector_load %arg10[%get3A_377] {strides = array<i32>} : memref<512xf32, #tpu.memory_space<vmem>>, vector<16xf32>,
    %get3A_379 = arith.constant 480 : index
    %get3A_380 = tpu.vector_load %arg11[%get3A_379] {strides = array<i32>} : memref<512xf32, #tpu.memory_space<vmem>>, vector<16xf32>,
    %add3A_381 = arith.addf %get3A_378, %get3A_380 : vector<16xf32>
    %add3A_382 = arith.addf %add3A_381, %gather3A_137 : vector<16xf32>
    %swap3A_383 = arith.constant 480 : index
    %swap3A_384 = tpu.vector_load %arg13[%swap3A_383] {strides = array<i32>} : memref<512xf32, #tpu.memory_space<vmem>>, vector<16xf32>,
    tpu.vector_store %arg13[%swap3A_383], %add3A_382 {strides = array<i32>} : memref<512xf32, #tpu.memory_space<vmem>>, vector<16xf32>,
    %get3A_385 = arith.constant 496 : index
    %get3A_386 = tpu.vector_load %arg10[%get3A_385] {strides = array<i32>} : memref<512xf32, #tpu.memory_space<vmem>>, vector<16xf32>,
    %get3A_387 = arith.constant 496 : index
    %get3A_388 = tpu.vector_load %arg11[%get3A_387] {strides = array<i32>} : memref<512xf32, #tpu.memory_space<vmem>>, vector<16xf32>,
    %add3A_389 = arith.addf %get3A_386, %get3A_388 : vector<16xf32>
    %add3A_390 = arith.addf %add3A_389, %gather3A_137 : vector<16xf32>
    %swap3A_391 = arith.constant 496 : index
    %swap3A_392 = tpu.vector_load %arg13[%swap3A_391] {strides = array<i32>} : memref<512xf32, #tpu.memory_space<vmem>>, vector<16xf32>,
    tpu.vector_store %arg13[%swap3A_391], %add3A_390 {strides = array<i32>} : memref<512xf32, #tpu.memory_space<vmem>>, vector<16xf32>,
    "tpu.region"() ({
      %run_scoped3A = tpu.sem_alloc : memref<!tpu.dma_semaphore, #tpu.memory_space<semaphore_mem>>
      %dma_start3A_393 = tpu.memref_slice %arg7[%mul3A_2] : memref<16384xf32, #tpu.memory_space<hbm>> -> memref<512xf32, #tpu.memory_space<hbm>>
      %dma_start3A_394 = tpu.memref_slice %arg7[%mul3A_2] : memref<16384xf32, #tpu.memory_space<hbm>> -> memref<512xf32, #tpu.memory_space<hbm>>
      tpu.enqueue_dma source(%arg13 : memref<512xf32, #tpu.memory_space<vmem>>) target(%dma_start3A_394 : memref<512xf32, #tpu.memory_space<hbm>>) target_semaphore(%run_scoped3A : memref<!tpu.dma_semaphore, #tpu.memory_space<semaphore_mem>>)
      %dma_wait3A_395 = tpu.memref_slice %arg7[%mul3A_2] : memref<16384xf32, #tpu.memory_space<hbm>> -> memref<512xf32, #tpu.memory_space<hbm>>
      %dma_wait3A_396 = tpu.memref_slice %arg7[%mul3A_2] : memref<16384xf32, #tpu.memory_space<hbm>> -> memref<512xf32, #tpu.memory_space<hbm>>
      tpu.wait_dma2 semaphore(%run_scoped3A : memref<!tpu.dma_semaphore, #tpu.memory_space<semaphore_mem>>) src(%arg13 : memref<512xf32, #tpu.memory_space<vmem>>) dst(%dma_wait3A_396 : memref<512xf32, #tpu.memory_space<hbm>>)
      tpu.yield
    }) : () -> ()
    return
  }
}

module attributes {stable_mosaic.version = 14 : i64} {
  func.func @_tc_score_body(%arg0: i32, %arg1: memref<1x64xf32, #tpu.memory_space<vmem>>, %arg2: memref<32x32768xf32, #tpu.memory_space<vmem>>, %arg3: memref<32x32768xf32, #tpu.memory_space<vmem>>, %arg4: memref<1x32768xf32, #tpu.memory_space<vmem>>, %arg5: memref<1x32768xf32, #tpu.memory_space<vmem>>) attributes {dimension_semantics = [#tpu.dimension_semantics<arbitrary>], iteration_bounds = array<i64: 31>, scalar_prefetch = 0 : i64, scratch_operands = 0 : i64, tpu.core_type = #tpu.core_type<tc>, window_params = [{pipeline_mode = #tpu.pipeline_mode<synchronous>, transform_indices = @transform_0, window_bounds = array<i64: 1, 64>}, {transform_indices = @transform_1, window_bounds = array<i64: 32, 32768>}, {transform_indices = @transform_2, window_bounds = array<i64: 32, 32768>}, {transform_indices = @transform_3, window_bounds = array<i64: 1, 32768>}, {transform_indices = @transform_4, window_bounds = array<i64: 1, 32768>}]} {
    %get3A = arith.constant 0 : index
    %get3A_0 = arith.constant 0 : index
    %get3A_1 = vector.load %arg1[%get3A, %get3A_0] : memref<1x64xf32, #tpu.memory_space<vmem>>, vector<1x32xf32>
    %get3A_2 = vector.shape_cast %get3A_1 : vector<1x32xf32> to vector<32xf32>
    %reshape3A = vector.shape_cast %get3A_2 : vector<32xf32> to vector<32x1xf32>
    %get3A_3 = arith.constant 0 : index
    %get3A_4 = arith.constant 32 : index
    %get3A_5 = vector.load %arg1[%get3A_3, %get3A_4] : memref<1x64xf32, #tpu.memory_space<vmem>>, vector<1x32xf32>
    %get3A_6 = vector.shape_cast %get3A_5 : vector<1x32xf32> to vector<32xf32>
    %reshape3A_7 = vector.shape_cast %get3A_6 : vector<32xf32> to vector<32x1xf32>
    %get3A_8 = arith.constant 0 : index
    %get3A_9 = arith.constant 0 : index
    %get3A_10 = vector.load %arg2[%get3A_8, %get3A_9] : memref<32x32768xf32, #tpu.memory_space<vmem>>, vector<32x32768xf32>
    %mul3A = vector.broadcast %reshape3A : vector<32x1xf32> to vector<32x32768xf32>
    %mul3A_11 = arith.mulf %get3A_10, %mul3A : vector<32x32768xf32>
    %reduce_sum3A = arith.constant dense<0.000000e+00> : vector<32768xf32>
    %reduce_sum3A_12 = vector.multi_reduction <add>, %mul3A_11, %reduce_sum3A [0] : vector<32x32768xf32> to vector<32768xf32>
    %broadcast_in_dim3A = vector.shape_cast %reduce_sum3A_12 : vector<32768xf32> to vector<1x32768xf32>
    %swap3A = arith.constant 0 : index
    %swap3A_13 = arith.constant 0 : index
    %swap3A_14 = vector.load %arg4[%swap3A, %swap3A_13] : memref<1x32768xf32, #tpu.memory_space<vmem>>, vector<1x32768xf32>
    tpu.vector_store %arg4[%swap3A, %swap3A_13], %broadcast_in_dim3A {strides = array<i32>} : memref<1x32768xf32, #tpu.memory_space<vmem>>, vector<1x32768xf32>,
    %get3A_15 = arith.constant 0 : index
    %get3A_16 = arith.constant 0 : index
    %get3A_17 = vector.load %arg3[%get3A_15, %get3A_16] : memref<32x32768xf32, #tpu.memory_space<vmem>>, vector<32x32768xf32>
    %mul3A_18 = vector.broadcast %reshape3A_7 : vector<32x1xf32> to vector<32x32768xf32>
    %mul3A_19 = arith.mulf %get3A_17, %mul3A_18 : vector<32x32768xf32>
    %reduce_sum3A_20 = arith.constant dense<0.000000e+00> : vector<32768xf32>
    %reduce_sum3A_21 = vector.multi_reduction <add>, %mul3A_19, %reduce_sum3A_20 [0] : vector<32x32768xf32> to vector<32768xf32>
    %broadcast_in_dim3A_22 = vector.shape_cast %reduce_sum3A_21 : vector<32768xf32> to vector<1x32768xf32>
    %swap3A_23 = arith.constant 0 : index
    %swap3A_24 = arith.constant 0 : index
    %swap3A_25 = vector.load %arg5[%swap3A_23, %swap3A_24] : memref<1x32768xf32, #tpu.memory_space<vmem>>, vector<1x32768xf32>
    tpu.vector_store %arg5[%swap3A_23, %swap3A_24], %broadcast_in_dim3A_22 {strides = array<i32>} : memref<1x32768xf32, #tpu.memory_space<vmem>>, vector<1x32768xf32>,
    return
  }
  func.func @transform_0(%arg0: i32) -> (i32, i32) {
    %c0_i32 = arith.constant 0 : i32
    %c0_i32_0 = arith.constant 0 : i32
    %c0_i32_1 = arith.constant 0 : i32
    return %c0_i32, %c0_i32_0 : i32, i32
  }
  func.func @transform_1(%arg0: i32) -> (i32, i32) {
    %c0_i32 = arith.constant 0 : i32
    %c0_i32_0 = arith.constant 0 : i32
    return %c0_i32, %arg0 : i32, i32
  }
  func.func @transform_2(%arg0: i32) -> (i32, i32) {
    %c0_i32 = arith.constant 0 : i32
    %c0_i32_0 = arith.constant 0 : i32
    return %c0_i32, %arg0 : i32, i32
  }
  func.func @transform_3(%arg0: i32) -> (i32, i32) {
    %c0_i32 = arith.constant 0 : i32
    %c0_i32_0 = arith.constant 0 : i32
    return %c0_i32, %arg0 : i32, i32
  }
  func.func @transform_4(%arg0: i32) -> (i32, i32) {
    %c0_i32 = arith.constant 0 : i32
    %c0_i32_0 = arith.constant 0 : i32
    return %c0_i32, %arg0 : i32, i32
  }
}

</mosaic_0001>

<sc_bundles>
// kernel: kernel.4.cloned.1.call-start
scs
__scs_entry_jumppad:
0x0: {  	(pc) =	sbr.rel $0x88, $3  }
0x1: {  	(tag) =	ssettag $0x0;
	lr =	simm.s32 $0x1  }
0x2: {  	[smem:$0x3F9B] =	sst lr;
	_ =	strace $0xD0000000  }
0x3: {  	_ = 	snop  }
0x4: {  	_ = 	snop  }
0x5: {  	_ = 	snop  }
0x6: {  	_ = 	snop  }
0x7: {  	_ = 	snop  }
__scs_overlays_trampoline_lowered:
0x8: {  	[smem:$0x3FAA] =	sst s0  }
0x9: {  	[smem:$0x3FAB] =	sst s1  }
0xa: {  	[smem:$0x3FAC] =	sst s2  }
0xb: {  	[smem:$0x3FAD] =	sst s3  }
0xc: {  	[smem:$0x3FAE] =	sst s4  }
0xd: {  	[smem:$0x3FAF] =	sst s5  }
0xe: {  	[smem:$0x3FB0] =	sst s6  }
0xf: {  	[smem:$0x3FB1] =	sst s7  }
0x10: {  	[smem:$0x3FB2] =	sst s8  }
0x11: {  	[smem:$0x3FB3] =	sst s9;
	s0 =	simm.s32 @!p0 $0x0  }
0x12: {  	s1 =	sld [smem:$0x3F99];
	s0 =	simm.s32 @p0 $0x1  }
0x13: {  	[smem:$0x3FB4] =	sst s0;
	s0 =	simm.s32 @!p1 $0x0  }
0x14: {  	s2 =	sld [smem:$0x3F98];
	s0 =	simm.s32 @p1 $0x1  }
0x15: {  	[smem:$0x3FB5] =	sst s0;
	s0 =	simm.s32 @!p2 $0x0  }
0x16: {  	s3 =	sld [smem:$0x3FDB];
	s0 =	simm.s32 @p2 $0x1  }
0x17: {  	s4 =	simm.s32 $0x1BF5;
	[smem:$0x3FB7] =	sst s0  }
0x18: {  	s0 =	sld [smem:$0x3F9A];
	_ =	swait.ge [sflag:s4], $0x0  }
0x19: {  	s7 =	sld [smem:$0x3F9B]  }
0x1a: {  	s8 =	sadd.s32 $0xFFFFE003, lr  }
0x1b: {  	s9 =	sadd.s32 $0xFFFFFEF7, lr;
	s5 =	simm.s32 $0xFFFFFFFF;
	p2 =	slt.u32 s8, $0xFFFFF086  }
0x1c: {  	p1 =	slt.u32 s9, $0xF7A;
	s5 =	simm.s32 @!p2 $0x0  }
0x1d: {  	s5 =	simm.s32 @p1 $0x1;
	p0 =	seq.s32 s7, s2  }
0x1e: {  	s7 =	smul.u32 @!p0 $0xF7A, s2;
	p2 =	seq.s32 @!p0 s5, $0x0  }
0x1f: {  	s9 =	smul.u32 $0xF7A, s1;
	s8 =	simm.s32 @!p0 $0x1BF5;
	p2 =	por !p2, p0  }
0x20: {  	[sflag:s8] =	ssyncset.s32 @!p0 $0xFFFFF086;
	s6 =	sadd.s32 @!p0 s3, s7;
	s7 =	simm.s32 @!p0 $0x108  }
0x21: {  	s3 =	sadd.s32 s3, s9;
	s6 =	sadd.s32 @!p0 $0x88, s6;
	s7 =	simm.s32 @p2 $0x1082  }
0x22: {  	[simem:s7], [sflag:s8] =	dma.local @!p0 [hbm:s6], $0xF7A  }
0x23: {  	s9 =	sor.u32 $0xD0000000, s2;
	s6 =	simm.s32 $0x108;
	_ =	swait.ge @!p0 [sflag:s8], $0x0  }
0x24: {  	s3 =	sadd.s32 $0x88, s3;
	s6 =	simm.s32 @!p1 $0x1082;
	[sflag:s4] =	ssyncset.s32 $0xFFFFF086  }
0x25: {  	[simem:s6], [sflag:s4] =	dma.local [hbm:s3], $0xF7A  }
0x26: {  	[smem:$0x3F9B] =	sst s1;
	(tag) =	ssettag s2;
	_ =	strace s9  }
0x27: {  	s1 =	sld [smem:$0x3FAB]  }
0x28: {  	s2 =	sld [smem:$0x3FAC]  }
0x29: {  	s4 =	sld [smem:$0x3FAE]  }
0x2a: {  	p0 =	seq.s32 s5, $0x0;
	s5 =	sld [smem:$0x3FAF]  }
0x2b: {  	s6 =	sld [smem:$0x3FB0]  }
0x2c: {  	s7 =	sld [smem:$0x3FB1]  }
0x2d: {  	s3 =	simm.s32 $0x108;
	s8 =	sld [smem:$0x3FB2]  }
0x2e: {  	s3 =	simm.s32 @!p0 $0x1082;
	s9 =	sld [smem:$0x3FB3]  }
0x2f: {  	lr =	sadd.s32 s0, s3;
	s0 =	sld [smem:$0x3FAA]  }
0x30: {  	s3 =	sld [smem:$0x3FAD]  }
0x31: {  	[smem:$0x3FB6] =	sst s10  }
0x32: {  	s10 =	sld [smem:$0x3FB4];
	_ =	sdelay $0x3  }
0x33: {  	p0 =	seq.s32 s10, $0x1;
	s10 =	sld [smem:$0x3FB6];
	_ =	sdelay $0x3  }
0x34: {  	[smem:$0x3FB6] =	sst s10  }
0x35: {  	s10 =	sld [smem:$0x3FB5];
	_ =	sdelay $0x3  }
0x36: {  	p1 =	seq.s32 s10, $0x1;
	s10 =	sld [smem:$0x3FB6];
	_ =	sdelay $0x3  }
0x37: {  	[smem:$0x3FB6] =	sst s10  }
0x38: {  	s10 =	sld [smem:$0x3FB7]  }
0x39: {  	_ = 	snop;
	(pc) =	sbr.ind lr, $3  }
0x3a: {  	_ = 	snop  }
0x3b: {  	_ = 	snop  }
0x3c: {  	p2 =	seq.s32 s10, $0x1;
	s10 =	sld [smem:$0x3FB6]  }
0x3d: {  	_ =	shalt  }
0x3e: {  	_ =	shalt  }
0x3f: {  	_ =	shalt  }
0x40: {  	_ =	shalt  }
0x41: {  	_ =	shalt  }
0x42: {  	_ =	shalt  }
0x43: {  	_ =	shalt  }
0x44: {  	_ =	shalt  }
0x45: {  	_ =	shalt  }
0x46: {  	_ =	shalt  }
0x47: {  	_ =	shalt  }
0x48: {  	_ =	shalt  }
0x49: {  	_ =	shalt  }
0x4a: {  	_ =	shalt  }
0x4b: {  	_ =	shalt  }
0x4c: {  	_ =	shalt  }
0x4d: {  	_ =	shalt  }
0x4e: {  	_ =	shalt  }
0x4f: {  	_ =	shalt  }
0x50: {  	_ =	shalt  }
0x51: {  	_ =	shalt  }
0x52: {  	_ =	shalt  }
0x53: {  	_ =	shalt  }
0x54: {  	_ =	shalt  }
0x55: {  	_ =	shalt  }
0x56: {  	_ =	shalt  }
0x57: {  	_ =	shalt  }
0x58: {  	_ =	shalt  }
0x59: {  	_ =	shalt  }
0x5a: {  	_ =	shalt  }
0x5b: {  	_ =	shalt  }
0x5c: {  	_ =	shalt  }
0x5d: {  	_ =	shalt  }
0x5e: {  	_ =	shalt  }
0x5f: {  	_ =	shalt  }
0x60: {  	_ =	shalt  }
0x61: {  	_ =	shalt  }
0x62: {  	_ =	shalt  }
0x63: {  	_ =	shalt  }
0x64: {  	_ =	shalt  }
0x65: {  	_ =	shalt  }
0x66: {  	_ =	shalt  }
0x67: {  	_ =	shalt  }
0x68: {  	_ =	shalt  }
0x69: {  	_ =	shalt  }
0x6a: {  	_ =	shalt  }
0x6b: {  	_ =	shalt  }
0x6c: {  	_ =	shalt  }
0x6d: {  	_ =	shalt  }
0x6e: {  	_ =	shalt  }
0x6f: {  	_ =	shalt  }
0x70: {  	_ =	shalt  }
0x71: {  	_ =	shalt  }
0x72: {  	_ =	shalt  }
0x73: {  	_ =	shalt  }
0x74: {  	_ =	shalt  }
0x75: {  	_ =	shalt  }
0x76: {  	_ =	shalt  }
0x77: {  	_ =	shalt  }
0x78: {  	_ =	shalt  }
0x79: {  	_ =	shalt  }
0x7a: {  	_ =	shalt  }
0x7b: {  	_ =	shalt  }
0x7c: {  	_ =	shalt  }
0x7d: {  	_ =	shalt  }
0x7e: {  	_ =	shalt  }
0x7f: {  	_ =	shalt  }
0x80: {  	_ =	shalt  }
0x81: {  	_ =	shalt  }
0x82: {  	_ =	shalt  }
0x83: {  	_ =	shalt  }
0x84: {  	_ =	shalt  }
0x85: {  	_ =	shalt  }
0x86: {  	_ =	shalt  }
0x87: {  	_ =	shalt  }
.Lfunc_end0:
.L_simem_size_0:
called_computation_lowered:
.L_overlay_start_0:
0x88: {  	s2 =	sld [smem:$0x3FD9]  }
0x89: {  	s3 =	sld [smem:$0x3FFE];
	_ =	sdelay $0x1  }
0x8a: {  	s1 =	srdreg.scid  }
0x8b: {  	s0 =	sand.u32 $0x1, s1  }
0x8c: {  	s17 =	sshll.u32 s0, $0xA;
	s2 =	sadd.s32 s3, s2  }
0x8d: {  	s2 =	sadd.s32 s2, s17  }
0x8e: {  	[smem:$0x3FC2] =	sst s2  }
0x8f: {  	_ = 	snop  }
0x90: {  	s2 =	sld [smem:$0x3FC9]  }
0x91: {  	s18 =	sld [smem:$0x3FC8]  }
0x92: {  	s4 =	sld [smem:$0x3FC4]  }
0x93: {  	s5 =	sld [smem:$0x3FD0];
	(tm) =	ssettm $0x1  }
0x94: {  	s6 =	sld [smem:$0x3FFB];
	_ =	sdelay $0x3  }
0x95: {  	_ =	strace s6  }
0x96: {  	s6 =	sld [smem:$0x3FFC];
	_ =	sdelay $0x3  }
0x97: {  	_ =	strace s6  }
0x98: {  	s6 =	sld [smem:$0x3FFD];
	_ =	sdelay $0x3  }
0x99: {  	_ =	strace s6  }
0x9a: {  	_ =	strace $0x8FFFFFFF  }
0x9b: {  	s19 =	sld [smem:$0x3FDB];
	_ =	sdelay $0x1  }
0x9c: {  	s7 =	simm.s32 $_scs_section_size  }
0x9d: {  	s8 =	simm.s32 $_size__tile_overlayer_lowered;
	s9 =	simm.s32 $_tile_overlayer_lowered  }
0x9e: {  	s22 =	simm.s32 $0x1BFF;
	s21 =	sshll.u32 s9, $0x1;
	s6 =	sadd.s32 s7, s19  }
0x9f: {  	s10 =	simm.s32 $0x0;
	s20 =	sshll.u32 s8, $0x1;
	s8 =	sadd.s32 s21, s6  }
0xa0: {  	[timem:s10], [sflag:s22] =	dma.local [hbm:s8], s20  }
0xa1: {  	_ =	swait.ge [sflag:s22], s20  }
0xa2: {  	s7 =	ssub.s32 $0x0, s20;
	[sflag:s22] =	ssyncset.done $0x0  }
0xa3: {  	[sflag:s22] =	ssyncadd.s32 s7;
	_ =	sdelay $0x1  }
0xa4: {  	s23 =	simm.s32 $0x1B8B  }
0xa5: {  	_ =	swait.ge [sflag:s23], $0x1  }
0xa6: {  	[sflag:s23] =	ssyncset.done $0x0  }
0xa7: {  	s25 =	simm.s32 $0x1B8E;
	s24 =	sld [smem:$0x3FFE];
	[sflag:s23] =	ssyncadd.s32 $0xFFFFFFFF  }
0xa8: {  	s26 =	simm.s32 $execute0_lowered;
	[smem:$0x3FD2] =	sst s25  }
0xa9: {  	s8 =	sshll.u32 s26, $0x1;
	_ =	strace $0x80000046;
	[dreg:$0x1] =	wrdreg $0xFFFFFFFF  }
0xaa: {  	s28 =	simm.s32 $_size_execute0_lowered;
	s6 =	sadd.s32 s6, s8;
	[dreg:$0x0] =	wrdreg $0x0  }
0xab: {  	s8 =	sshll.u32 s28, $0x1;
	[dreg:$0x2] =	wrdreg s6  }
0xac: {  	[dreg:$0x3] =	wrdreg s8  }
0xad: {  	[dreg:$0x4] =	wrdreg $0xC0  }
0xae: {  	_ =	task [dreg:s10], $0x5FFFF  }
0xaf: {  	[dreg:$0x1] =	wrdreg $0xFFFFFFFF  }
0xb0: {  	[dreg:$0x0] =	wrdreg $0x60  }
0xb1: {  	[dreg:$0x2] =	wrdreg s2  }
0xb2: {  	[dreg:$0x3] =	wrdreg s18  }
0xb3: {  	[dreg:$0x4] =	wrdreg s24  }
0xb4: {  	[dreg:$0x5] =	wrdreg s4  }
0xb5: {  	[dreg:$0x6] =	wrdreg s5  }
0xb6: {  	[dreg:$0x7] =	wrdreg $0x9  }
0xb7: {  	_ =	task.clear_ibuf [dreg:s10], $0x8FFFF;
	_ =	strace $0x90000046  }
0xb8: {  	s29 =	simm.s32 $0x9;
	_ =	strace $0x80000048  }
0xb9: {  	_ =	swait.ge [sflag:s29], $0x1  }
0xba: {  	[sflag:s29] =	ssyncadd.s32 $0xFFFFFFFF  }
0xbb: {  	_ =	strace $0x90000048  }
0xbc: {  	_ =	sfence  }
0xbd: {  	s30 =	sld [smem:$0x0];
	_ =	sdelay $0x2  }
0xbe: {  	s31 =	sshll.u32 s1, $0xD;
	s1 =	sshrl.u32 s1, $0x2  }
0xbf: {  	s3 =	sand.u32 $0x4000, s31;
	s1 =	sadd.s32 s1, s30  }
0xc0: {  	s0 =	sor.u32 s3, s0;
	s1 =	sshll.u32 s1, $0x11  }
0xc1: {  	s0 =	sor.u32 s1, s0  }
0xc2: {  	s0 =	sadd.s32 $0x8F2B, s0  }
0xc3: {  	[sflag:s0] =	ssyncadd.remote.s32 $0x1  }
0xc4: {  	_ =	sfence.sel $0xFFFF  }
0xc5: {  	[dreg:$0x0] =	wrdreg $0xFFFFFFFF;
	(pc) =	sbr.abs _section_cstart, $3  }
0xc6: {  	[dreg:$0x1] =	wrdreg $0xFFFFFFFF  }
0xc7: {  	_ =	task.clear_ibuf [dreg:s10], $0x2FFFF;
	_ =	strace $0x9FFFFFFF  }
0xc8: {  	(tm) =	ssettm $0x7FFFFFFF  }
0xc9: {  	_ =	shalt  }
tec
execute0_lowered:
.L_overlay_start_1:
0x0: {  	(tag) =	ssettag $0x1  }
0x1: {  	s6 =	rddreg [dreg:$0x0]  }
0x2: {  	s7 =	rddreg [dreg:$0x1]  }
0x3: {  	s5 =	rddreg [dreg:$0x2]  }
0x4: {  	s1 =	rddreg [dreg:$0x3]  }
0x5: {  	s8 =	rddreg [dreg:$0x4]  }
0x6: {  	s0 =	rddreg [dreg:$0x5];
	s2 =	simm.s32 $0x0  }
0x7: {  	s9 =	srdreg.scid;
	s3 =	stileid.u32;
	s13 =	simm.s32 $0x80  }
0x8: {  	s14 =	simm.s32 $0x400;
	s15 =	simm.s32 $0x600;
	s16 =	simm.s32 $0x480  }
0x9: {  	s17 =	simm.s32 $0x280;
	s18 =	simm.s32 $0x680;
	s19 =	simm.s32 $0x100  }
0xa: {  	s20 =	simm.s32 $0x500;
	s21 =	simm.s32 $0x300;
	s22 =	simm.s32 $0x700  }
0xb: {  	s23 =	simm.s32 $0x180;
	s24 =	simm.s32 $0x580;
	s25 =	simm.s32 $0x380  }
0xc: {  	s26 =	simm.s32 $0x780;
	s28 =	simm.s32 $0x1;
	s29 =	simm.s32 $0x810  }
0xd: {  	[smem:$0x7FF] =	sst s2;
	s4 =	sadd.s32 $0xC00, s5;
	s9 =	sand.u32 $0x1, s9  }
0xe: {  	s11 =	sshll.u32 s3, $0x7;
	s5 =	sadd.s32 $0x1FC00, s5;
	s10 =	ssub.s32 $0x2, s9  }
0xf: {  	_ =	strace $0x80000047;
	s9 =	sshll.u32 s9, $0x6;
	s12 =	sshrl.u32 s10, $0x1  }
0x10: {  	s9 =	sor.u32 s9, s11;
	s11 =	simm.s32 $0x200;
	s10 =	ssub.s32 s10, s12  }
0x11: {  	s6 =	sadd.s32 s6, s9;
	s7 =	sadd.s32 s7, s9;
	s8 =	sadd.s32 s8, s9  }
0x12: {  	v0 =	vimm.s32 $0x0;
	s12 =	simm.s32 $0x800;
	s9 =	smax.u32 s10, $0x1;
	s10 =	simm.s32 $0x2  }
.LBB2_1:
0x13: {  	[tilespmem:s2], [sflag:$0x2] =	stream.linear.gather [hbm4b:s6+s2], $0x200, $0x38;
	[tilespmem:$0xA10] =	vst v63  }
0x14: {  	_ =	swait.ge [sflag:s10], $0x200  }
0x15: {  	[sflag:s10] =	ssyncset.done $0x0  }
0x16: {  	[sflag:s10] =	ssyncadd.s32 $0xFFFFFE00  }
0x17: {  	[tilespmem:s11], [sflag:$0x2] =	stream.linear.gather [hbm4b:s7+s2], $0x200, $0x38;
	[tilespmem:$0xA10] =	vst v63  }
0x18: {  	_ =	swait.ge [sflag:s10], $0x200  }
0x19: {  	[sflag:s10] =	ssyncset.done $0x0  }
0x1a: {  	[sflag:s10] =	ssyncadd.s32 $0xFFFFFE00  }
0x1b: {  	[tilespmem:s12], [sflag:$0x2] =	stream.linear.gather [hbm4b:s1+s2], $0x1, $0x38;
	[tilespmem:$0xA10] =	vst v63  }
0x1c: {  	_ =	swait.ge [sflag:s10], $0x1  }
0x1d: {  	[sflag:s10] =	ssyncset.done $0x0  }
0x1e: {  	[sflag:s10] =	ssyncadd.s32 $0xFFFFFFFF  }
0x1f: {  	[tilespmem:s14], [sflag:$0x1] =	stream.indirect.gather [hbm4b:s4+s13], $0x1, s2, s13, $0xb8;
	[tilespmem:$0xA10] =	vst v63  }
0x20: {  	_ = 	snop  }
0x21: {  	[tilespmem:s15], [sflag:$0x1] =	stream.indirect.gather [hbm4b:s5+s13], $0x1, s11, s13, $0xb8;
	[tilespmem:$0xA10] =	vst v63  }
0x22: {  	_ = 	snop  }
0x23: {  	[tilespmem:s16], [sflag:$0x1] =	stream.indirect.gather [hbm4b:s4+s13], $0x1, s13, s13, $0xb8;
	[tilespmem:$0xA10] =	vst v63  }
0x24: {  	_ = 	snop  }
0x25: {  	[tilespmem:s18], [sflag:$0x1] =	stream.indirect.gather [hbm4b:s5+s13], $0x1, s17, s13, $0xb8;
	[tilespmem:$0xA10] =	vst v63  }
0x26: {  	_ = 	snop  }
0x27: {  	[tilespmem:s20], [sflag:$0x1] =	stream.indirect.gather [hbm4b:s4+s13], $0x1, s19, s13, $0xb8;
	[tilespmem:$0xA10] =	vst v63  }
0x28: {  	_ = 	snop  }
0x29: {  	[tilespmem:s22], [sflag:$0x1] =	stream.indirect.gather [hbm4b:s5+s13], $0x1, s21, s13, $0xb8;
	[tilespmem:$0xA10] =	vst v63  }
0x2a: {  	_ = 	snop  }
0x2b: {  	[tilespmem:s24], [sflag:$0x1] =	stream.indirect.gather [hbm4b:s4+s13], $0x1, s23, s13, $0xb8;
	[tilespmem:$0xA10] =	vst v63  }
0x2c: {  	_ = 	snop  }
0x2d: {  	[tilespmem:s26], [sflag:$0x1] =	stream.indirect.gather [hbm4b:s5+s13], $0x1, s25, s13, $0xb8;
	[tilespmem:$0xA10] =	vst v63  }
0x2e: {  	_ =	swait.ge [sflag:s28], $0x80  }
0x2f: {  	[sflag:s28] =	ssyncset.done $0x0  }
0x30: {  	[sflag:s28] =	ssyncadd.s32 $0xFFFFFF80  }
0x31: {  	_ =	swait.ge [sflag:s28], $0x80  }
0x32: {  	[sflag:s28] =	ssyncset.done $0x0  }
0x33: {  	[sflag:s28] =	ssyncadd.s32 $0xFFFFFF80  }
0x34: {  	_ =	swait.ge [sflag:s28], $0x80  }
0x35: {  	[sflag:s28] =	ssyncset.done $0x0  }
0x36: {  	[sflag:s28] =	ssyncadd.s32 $0xFFFFFF80  }
0x37: {  	_ =	swait.ge [sflag:s28], $0x80  }
0x38: {  	[sflag:s28] =	ssyncset.done $0x0  }
0x39: {  	[sflag:s28] =	ssyncadd.s32 $0xFFFFFF80  }
0x3a: {  	_ =	swait.ge [sflag:s28], $0x80  }
0x3b: {  	[sflag:s28] =	ssyncset.done $0x0  }
0x3c: {  	[sflag:s28] =	ssyncadd.s32 $0xFFFFFF80  }
0x3d: {  	_ =	swait.ge [sflag:s28], $0x80  }
0x3e: {  	[sflag:s28] =	ssyncset.done $0x0  }
0x3f: {  	[sflag:s28] =	ssyncadd.s32 $0xFFFFFF80  }
0x40: {  	_ =	swait.ge [sflag:s28], $0x80  }
0x41: {  	[sflag:s28] =	ssyncset.done $0x0  }
0x42: {  	[sflag:s28] =	ssyncadd.s32 $0xFFFFFF80  }
0x43: {  	_ =	swait.ge [sflag:s28], $0x80  }
0x44: {  	[sflag:s28] =	ssyncset.done $0x0  }
0x45: {  	[sflag:s28] =	ssyncadd.s32 $0xFFFFFF80  }
0x46: {  	v1 =	vld [tilespmem:$0x800]  }
0x47: {  	v2 =	vld [tilespmem:$0x400]  }
0x48: {  	v3 =	vld [tilespmem:$0x600]  }
0x49: {  	v4 =	vld [tilespmem:$0x410]  }
0x4a: {  	v5 =	vld [tilespmem:$0x610]  }
0x4b: {  	v6 =	vld [tilespmem:$0x420]  }
0x4c: {  	v7 =	vld [tilespmem:$0x620]  }
0x4d: {  	v8 =	vld [tilespmem:$0x430]  }
0x4e: {  	v9 =	vld [tilespmem:$0x630]  }
0x4f: {  	v10 =	vld [tilespmem:$0x440]  }
0x50: {  	v11 =	vld [tilespmem:$0x640]  }
0x51: {  	v12 =	vld [tilespmem:$0x450]  }
0x52: {  	v13 =	vld [tilespmem:$0x650]  }
0x53: {  	v14 =	vld [tilespmem:$0x460]  }
0x54: {  	v15 =	vld [tilespmem:$0x660]  }
0x55: {  	v16 =	vld [tilespmem:$0x470]  }
0x56: {  	v17 =	vld [tilespmem:$0x670]  }
0x57: {  	v18 =	vld [tilespmem:$0x480]  }
0x58: {  	v19 =	vld [tilespmem:$0x680]  }
0x59: {  	v20 =	vld [tilespmem:$0x490]  }
0x5a: {  	v21 =	vld [tilespmem:$0x690]  }
0x5b: {  	v22 =	vld [tilespmem:$0x4A0]  }
0x5c: {  	v23 =	vld [tilespmem:$0x6A0]  }
0x5d: {  	v24 =	vld [tilespmem:$0x4B0]  }
0x5e: {  	v25 =	vld [tilespmem:$0x6B0]  }
0x5f: {  	v26 =	vld [tilespmem:$0x4C0]  }
0x60: {  	v27 =	vld [tilespmem:$0x6C0]  }
0x61: {  	v28 =	vld [tilespmem:$0x4D0]  }
0x62: {  	v29 =	vld [tilespmem:$0x6D0]  }
0x63: {  	v30 =	vld [tilespmem:$0x4E0]  }
0x64: {  	v31 =	vld [tilespmem:$0x6E0]  }
0x65: {  	v32 =	vld [tilespmem:$0x4F0]  }
0x66: {  	v33 =	vld [tilespmem:$0x6F0]  }
0x67: {  	v34 =	vld [tilespmem:$0x500]  }
0x68: {  	v35 =	vld [tilespmem:$0x700]  }
0x69: {  	v36 =	vld [tilespmem:$0x510]  }
0x6a: {  	v37 =	vld [tilespmem:$0x710]  }
0x6b: {  	v38 =	vld [tilespmem:$0x520]  }
0x6c: {  	v50 =	vld [tilespmem:$0x750];
	v1 =	vperm.xlane v1, v0;
	v2 =	vadd.f32 v3, v2  }
0x6d: {  	v53 =	vld [tilespmem:$0x560];
	v4 =	vadd.f32 v5, v4  }
0x6e: {  	v55 =	vld [tilespmem:$0x760];
	v6 =	vadd.f32 v7, v6;
	v2 =	vadd.f32 v2, v1  }
0x6f: {  	v58 =	vld [tilespmem:$0x570];
	v8 =	vadd.f32 v9, v8;
	v4 =	vadd.f32 v4, v1  }
0x70: {  	v60 =	vld [tilespmem:$0x770];
	v46 =	vadd.f32 v11, v10;
	[tilespmem:$0x810] =	vst v2;
	v2 =	vadd.f32 v6, v1  }
0x71: {  	v63 =	vld [tilespmem:$0x580];
	v48 =	vadd.f32 v13, v12;
	v47 =	vadd.f32 v8, v1;
	[tilespmem:$0x820] =	vst v4  }
0x72: {  	v39 =	vld [tilespmem:$0x5A0];
	v49 =	vadd.f32 v15, v14;
	[tilespmem:$0x830] =	vst v2;
	v2 =	vadd.f32 v46, v1  }
0x73: {  	v41 =	vld [tilespmem:$0x7A0];
	v52 =	vadd.f32 v17, v16;
	v51 =	vadd.f32 v48, v1;
	[tilespmem:$0x840] =	vst v47  }
0x74: {  	v44 =	vld [tilespmem:$0x5B0];
	v54 =	vadd.f32 v19, v18;
	[tilespmem:$0x850] =	vst v2;
	v2 =	vadd.f32 v49, v1  }
0x75: {  	v45 =	vld [tilespmem:$0x7B0];
	v57 =	vadd.f32 v21, v20;
	v56 =	vadd.f32 v52, v1;
	[tilespmem:$0x860] =	vst v51  }
0x76: {  	v3 =	vld [tilespmem:$0x720];
	v59 =	vadd.f32 v23, v22;
	[tilespmem:$0x870] =	vst v2;
	v2 =	vadd.f32 v54, v1  }
0x77: {  	v5 =	vld [tilespmem:$0x530];
	v62 =	vadd.f32 v25, v24;
	v61 =	vadd.f32 v57, v1;
	[tilespmem:$0x880] =	vst v56  }
0x78: {  	v7 =	vld [tilespmem:$0x730];
	v24 =	vadd.f32 v27, v26;
	[tilespmem:$0x890] =	vst v2;
	v2 =	vadd.f32 v59, v1  }
0x79: {  	v9 =	vld [tilespmem:$0x540];
	v27 =	vadd.f32 v29, v28;
	v26 =	vadd.f32 v62, v1;
	[tilespmem:$0x8A0] =	vst v61  }
0x7a: {  	v10 =	vld [tilespmem:$0x740];
	v29 =	vadd.f32 v31, v30;
	[tilespmem:$0x8B0] =	vst v2;
	v2 =	vadd.f32 v24, v1  }
0x7b: {  	v11 =	vld [tilespmem:$0x550];
	v33 =	vadd.f32 v33, v32;
	v31 =	vadd.f32 v27, v1;
	[tilespmem:$0x8C0] =	vst v26  }
0x7c: {  	v25 =	vld [tilespmem:$0x780];
	v40 =	vadd.f32 v35, v34;
	[tilespmem:$0x8D0] =	vst v2;
	v2 =	vadd.f32 v29, v1  }
0x7d: {  	v28 =	vld [tilespmem:$0x590];
	v43 =	vadd.f32 v37, v36;
	v42 =	vadd.f32 v33, v1;
	[tilespmem:$0x8E0] =	vst v31  }
0x7e: {  	v30 =	vld [tilespmem:$0x790];
	v3 =	vadd.f32 v3, v38;
	[tilespmem:$0x8F0] =	vst v2;
	v2 =	vadd.f32 v40, v1  }
0x7f: {  	v48 =	vld [tilespmem:$0x7C0];
	[tilespmem:$0x900] =	vst v42;
	v61 =	vadd.f32 v45, v44;
	v46 =	vadd.f32 v43, v1  }
0x80: {  	v52 =	vld [tilespmem:$0x7D0];
	[tilespmem:$0x910] =	vst v2;
	v2 =	vadd.f32 v3, v1;
	v3 =	vadd.f32 v10, v9  }
0x81: {  	v47 =	vld [tilespmem:$0x5C0];
	v5 =	vadd.f32 v7, v5;
	v4 =	vadd.f32 v61, v1;
	[tilespmem:$0x920] =	vst v46  }
0x82: {  	v51 =	vld [tilespmem:$0x5D0];
	[tilespmem:$0x930] =	vst v2;
	v2 =	vadd.f32 v3, v1;
	v3 =	vadd.f32 v55, v53  }
0x83: {  	v56 =	vld [tilespmem:$0x7E0];
	v49 =	vadd.f32 v5, v1;
	[tilespmem:$0x9C0] =	vst v4;
	v54 =	vadd.f32 v60, v58  }
0x84: {  	v60 =	vld [tilespmem:$0x7F0];
	[tilespmem:$0x950] =	vst v2;
	v2 =	vadd.f32 v3, v1;
	v3 =	vadd.f32 v25, v63  }
0x85: {  	[tilespmem:$0x940] =	vst v49;
	v58 =	vadd.f32 v30, v28;
	v57 =	vadd.f32 v54, v1;
	v55 =	vld [tilespmem:$0x5E0]  }
0x86: {  	v59 =	vld [tilespmem:$0x5F0];
	[tilespmem:$0x970] =	vst v2;
	v2 =	vadd.f32 v3, v1;
	v3 =	vadd.f32 v41, v39  }
0x87: {  	v62 =	vadd.f32 v52, v51;
	v5 =	vadd.f32 v58, v1;
	[tilespmem:$0x980] =	vst v57  }
0x88: {  	[tilespmem:$0x990] =	vst v2;
	v2 =	vadd.f32 v48, v47;
	v3 =	vadd.f32 v3, v1  }
0x89: {  	v50 =	vadd.f32 v50, v11;
	[tilespmem:$0x9A0] =	vst v5;
	v5 =	vadd.f32 v62, v1  }
0x8a: {  	[tilespmem:$0x9B0] =	vst v3;
	v3 =	vadd.f32 v56, v55;
	v2 =	vadd.f32 v2, v1  }
0x8b: {  	[tilespmem:$0x9E0] =	vst v5;
	v53 =	vadd.f32 v50, v1;
	v63 =	vadd.f32 v60, v59  }
0x8c: {  	[tilespmem:$0x9D0] =	vst v2;
	v2 =	vadd.f32 v3, v1  }
0x8d: {  	[tilespmem:$0x960] =	vst v53;
	v1 =	vadd.f32 v63, v1  }
0x8e: {  	p0 =	sne.s32 s9, $0x1;
	[tilespmem:$0x9F0] =	vst v2  }
.Ltmp0:
0x8f: {  	[tilespmem:$0xA00] =	vst v1;
	(pc) =	sbr.rel @p0 .LBB2_1-.Ltmp0, $4  }
0x90: {  	[hbm4b:s8+s2] =	stream.linear.scatter [tilespmem:s29], [sflag:$0x2], $0x200, $0x38;
	[tilespmem:$0xA10] =	vst v63  }
0x91: {  	_ =	swait.ge [sflag:s10], $0x200  }
0x92: {  	[sflag:s10] =	ssyncset.done $0x0  }
0x93: {  	s9 =	sadd.s32 $0xFFFFFFFF, s9;
	[sflag:s10] =	ssyncadd.s32 $0xFFFFFE00  }
0x94: {  	_ =	sfence.sel $0x180000  }
0x95: {  	[bflag:$0x0] =	sbarrier.arrive $0xFFFF  }
0x96: {  	p0 =	sne.s32 s3, $0x0;
	_ =	strace $0x90000047  }
0x97: {  	s0 =	sadd.s32 @!p0 $0x100000, s0;
	[bflag:$0x2] =	sbarrier.arrive $0xFFFF  }
0x98: {  	[sflag:s0] =	ssyncadd.tile.s32 @!p0 $0x1;
	_ =	shalt  }
.Lfunc_end2:
_tile_overlayer_lowered:
.L_overlay_start_2:
0x99: {  	(tag) =	ssettag $0x2  }
0x9a: {  	s0 =	rddreg [dreg:$0x0];
	s2 =	stileid.u32  }
0x9b: {  	s1 =	rddreg [dreg:$0x1];
	p0 =	sne.s32 s2, $0x0  }
0x9c: {  	s3 =	rddreg [dreg:$0x2];
	[bflag:$0x3] =	sbarrier.arrive $0xFFFF;
	s2 =	simm.s32 @!p0 $0x1C02  }
0x9d: {  	[timem:s3], [sflag:s2] =	dma.local @!p0 [hbm:s0], s1  }
0x9e: {  	s0 =	simm.s32 @!p0 $0x2  }
0x9f: {  	_ =	swait.ge @!p0 [sflag:s0], s1  }
0xa0: {  	s1 =	ssub.s32 @!p0 $0x0, s1;
	[sflag:s0] =	ssyncset.done @!p0 $0x0  }
0xa1: {  	[sflag:s0] =	ssyncadd.s32 @!p0 s1  }
0xa2: {  	[bflag:$0x3] =	sbarrier.arrive $0xFFFF  }
0xa3: {  	_ =	shalt  }

</sc_bundles>
